<compile_context>
chip_gen: v7x
topology: tpu7x:2x2x1
jax: 0.10.2.dev20260603
libtpu: 0.0.44.dev20260713+nightly
codegen_flags: <defaults>
</compile_context>

<pallas_src>
import functools

import jax
import jax.numpy as jnp
from jax import lax
from jax.experimental import pallas as pl
from jax.experimental.pallas import tpu as pltpu
from jax.experimental.pallas import tpu_sc as plsc

N_VAR = 1000
D_MODEL = 128
B = 4096
F = 100

TOT = B * F
NC, NS = 2, 16
NW = NC * NS
PER_W = TOT // NW
CHUNK = 128
N_CHUNKS = PER_W // CHUNK
NBUF = 4
N_GROUPS = N_CHUNKS // NBUF

_mesh = plsc.VectorSubcoreMesh(core_axis_name="c", subcore_axis_name="s")


@functools.partial(
    pl.kernel,
    mesh=_mesh,
    out_type=jax.ShapeDtypeStruct((TOT, D_MODEL), jnp.float32),
    scratch_types=[
        pltpu.VMEM((F, CHUNK), jnp.int32),
        pltpu.VMEM((NBUF, CHUNK, D_MODEL), jnp.float32),
        pltpu.VMEM_SHARED((N_VAR, D_MODEL), jnp.float32),
        pltpu.SemaphoreType.DMA((NBUF,)),
        pltpu.SemaphoreType.DMA((NBUF,)),
    ],
)
def _emb_lookup(table_hbm, idx_hbm, out_hbm, idx_v, rows_v, table_sp, gsem, ssem):
    sid = lax.axis_index("s")
    wid = sid * NC + lax.axis_index("c")
    col0 = wid * CHUNK

    @pl.when(sid == 0)
    def _():
        pltpu.sync_copy(table_hbm, table_sp)

    pltpu.sync_copy(idx_hbm.at[:, pl.ds(col0, CHUNK)], idx_v)
    plsc.subcore_barrier()

    def start_gather(g, b):
        pltpu.async_copy(table_sp.at[idx_v.at[g]], rows_v.at[b], gsem.at[b])

    def wait_gather(b):
        pltpu.make_async_copy(
            table_sp.at[pl.ds(0, CHUNK)], rows_v.at[b], gsem.at[b]
        ).wait()

    def out_slice(g):
        return out_hbm.at[pl.ds(g * B + col0, CHUNK)]

    def start_store(g, b):
        pltpu.async_copy(rows_v.at[b], out_slice(g), ssem.at[b])

    def wait_store(b):
        pltpu.make_async_copy(
            rows_v.at[b], out_hbm.at[pl.ds(0, CHUNK)], ssem.at[b]
        ).wait()

    for b in range(NBUF):
        start_gather(b, b)

    def group(g0, carry):
        for b in range(NBUF):
            wait_gather(b)
            start_store(g0 * NBUF + b, b)
        for b in range(NBUF):
            wait_store(b)
            start_gather(g0 * NBUF + b + NBUF, b)
        return carry

    lax.fori_loop(0, N_GROUPS - 1, group, 0)

    for b in range(NBUF):
        g = (N_GROUPS - 1) * NBUF + b
        wait_gather(b)
        pltpu.sync_copy(rows_v.at[b], out_slice(g))


def kernel(x, table):
    idx = jnp.transpose(x).astype(jnp.int32)
    out = _emb_lookup(table, idx)
    return jnp.swapaxes(out.reshape(F, B, D_MODEL), 0, 1)

# --- scband reference (transcript-rebuilt; emitter-appended) ---
"""Pipeline reference for scband-variable-embedding-25366076850836 (READ-ONLY COPY).

The authoritative reference and input builder live on the scoring server;
editing this copy changes nothing except your own understanding.
"""

import jax, jax.numpy as jnp
import numpy as np

N_VAR = 1000
D_MODEL = 128
B = 4096
F = 100

def setup_inputs(seed: int = 0) -> dict:
    key = jax.random.key(seed)
    k_idx, k_tab = jax.random.split(key)
    x = jax.random.randint(k_idx, (B, F), 0, N_VAR, dtype=jnp.int64 if jax.config.jax_enable_x64 else jnp.int32)
    table = jax.random.normal(k_tab, (N_VAR, D_MODEL), dtype=jnp.float32)
    return {"x": x, "table": table}

def reference(x, table):
    # nn.Embedding(n_var, d_model)(x.long()) -> gather rows of table
    return jnp.take(table, x.astype(jnp.int32), axis=0)

if __name__ == "__main__":
    import jax
    _d = setup_inputs()
    print(jax.jit(kernel)(*tuple(_d.values())))

</pallas_src>

<mosaic_0001>
#map = affine_map<(d0, d1) -> (0, 0)>
module attributes {stable_mosaic.version = 14 : i64} {
  func.func @_emb_lookup(%arg0: i32, %arg1: i32, %arg2: memref<1000x128xf32, #tpu.memory_space<hbm>>, %arg3: memref<100x4096xi32, #tpu.memory_space<hbm>>, %arg4: memref<409600x128xf32, #tpu.memory_space<hbm>>, %arg5: memref<100x128xi32, #tpu.memory_space<vmem>>, %arg6: memref<4x128x128xf32, #tpu.memory_space<vmem>>, %arg7: memref<1000x128xf32, #tpu.memory_space<vmem_shared>>, %arg8: memref<4x!tpu.dma_semaphore, #tpu.memory_space<semaphore_mem>>, %arg9: memref<4x!tpu.dma_semaphore, #tpu.memory_space<semaphore_mem>>) attributes {dimension_semantics = [#tpu.dimension_semantics<core_parallel>, #tpu.dimension_semantics<subcore_parallel>], iteration_bounds = array<i64: 2, 16>, scalar_prefetch = 0 : i64, scratch_operands = 5 : i64, tpu.core_type = #tpu.core_type<sc_vector_subcore>, window_params = [{transform_indices = #map}, {transform_indices = #map}, {transform_indices = #map}]} {
    %mul3A = arith.constant 2 : i32
    %mul3A_0 = arith.muli %arg1, %mul3A : i32
    %add3A = arith.addi %mul3A_0, %arg0 : i32
    %mul3A_1 = arith.constant 128 : i32
    %mul3A_2 = arith.muli %add3A, %mul3A_1 : i32
    %eq3A = arith.constant 0 : i32
    %eq3A_3 = arith.cmpi eq, %arg1, %eq3A : i32
    %convert_element_type3A = arith.extui %eq3A_3 : i1 to i32
    %cond3A = arith.constant 0 : i32
    %cond3A_4 = arith.cmpi ne, %convert_element_type3A, %cond3A : i32
    scf.if %cond3A_4 {
      "tpu.region"() ({
        %run_scoped3A_151 = tpu.sem_alloc : memref<!tpu.dma_semaphore, #tpu.memory_space<semaphore_mem>>
        tpu.enqueue_dma source(%arg2 : memref<1000x128xf32, #tpu.memory_space<hbm>>) target(%arg7 : memref<1000x128xf32, #tpu.memory_space<vmem_shared>>) target_semaphore(%run_scoped3A_151 : memref<!tpu.dma_semaphore, #tpu.memory_space<semaphore_mem>>)
        tpu.wait_dma2 semaphore(%run_scoped3A_151 : memref<!tpu.dma_semaphore, #tpu.memory_space<semaphore_mem>>) src(%arg2 : memref<1000x128xf32, #tpu.memory_space<hbm>>) dst(%arg7 : memref<1000x128xf32, #tpu.memory_space<vmem_shared>>)
        tpu.yield
      }) : () -> ()
    } else {
    }
    "tpu.region"() ({
      %run_scoped3A_151 = tpu.sem_alloc : memref<!tpu.dma_semaphore, #tpu.memory_space<semaphore_mem>>
      %dma_start3A_152 = arith.constant 0 : i32
      %dma_start3A_153 = tpu.memref_slice %arg3[%dma_start3A_152, %mul3A_2] : memref<100x4096xi32, #tpu.memory_space<hbm>> -> memref<100x128xi32, #tpu.memory_space<hbm>>
      %dma_start3A_154 = arith.constant 0 : i32
      %dma_start3A_155 = tpu.memref_slice %arg3[%dma_start3A_154, %mul3A_2] : memref<100x4096xi32, #tpu.memory_space<hbm>> -> memref<100x128xi32, #tpu.memory_space<hbm>>
      tpu.enqueue_dma source(%dma_start3A_155 : memref<100x128xi32, #tpu.memory_space<hbm>>) target(%arg5 : memref<100x128xi32, #tpu.memory_space<vmem>>) target_semaphore(%run_scoped3A_151 : memref<!tpu.dma_semaphore, #tpu.memory_space<semaphore_mem>>)
      %dma_wait3A_156 = arith.constant 0 : i32
      %dma_wait3A_157 = tpu.memref_slice %arg3[%dma_wait3A_156, %mul3A_2] : memref<100x4096xi32, #tpu.memory_space<hbm>> -> memref<100x128xi32, #tpu.memory_space<hbm>>
      %dma_wait3A_158 = arith.constant 0 : i32
      %dma_wait3A_159 = tpu.memref_slice %arg3[%dma_wait3A_158, %mul3A_2] : memref<100x4096xi32, #tpu.memory_space<hbm>> -> memref<100x128xi32, #tpu.memory_space<hbm>>
      tpu.wait_dma2 semaphore(%run_scoped3A_151 : memref<!tpu.dma_semaphore, #tpu.memory_space<semaphore_mem>>) src(%dma_wait3A_159 : memref<100x128xi32, #tpu.memory_space<hbm>>) dst(%arg5 : memref<100x128xi32, #tpu.memory_space<vmem>>)
      tpu.yield
    }) : () -> ()
    %barrier3A = arith.constant 0 : index
    tpu.barrier barrier_id(%barrier3A)
    %dma_start3A = arith.constant 0 : i32
    %dma_start3A_5 = arith.constant 0 : i32
    %dma_start3A_6 = arith.constant 0 : i32
    %dma_start3A_7 = arith.constant 0 : i32
    %dma_start3A_8 = arith.constant 0 : i32
    %dma_start3A_9 = tpu.memref_slice %arg6[%dma_start3A_5, %dma_start3A_7, %dma_start3A_8] : memref<4x128x128xf32, #tpu.memory_space<vmem>> -> memref<1x128x128xf32, #tpu.memory_space<vmem>>
    %dma_start3A_10 = tpu.memref_squeeze %dma_start3A_9 : memref<1x128x128xf32, #tpu.memory_space<vmem>> -> memref<128x128xf32, #tpu.memory_space<vmem>>
    %dma_start3A_11 = arith.constant 0 : i32
    %dma_start3A_12 = tpu.memref_slice %arg5[%dma_start3A, %dma_start3A_11] : memref<100x128xi32, #tpu.memory_space<vmem>> -> memref<1x128xi32, #tpu.memory_space<vmem>>
    %dma_start3A_13 = tpu.memref_squeeze %dma_start3A_12 : memref<1x128xi32, #tpu.memory_space<vmem>> -> memref<128xi32, #tpu.memory_space<vmem>>
    %dma_start3A_14 = arith.constant 0 : i32
    %dma_start3A_15 = arith.constant 0 : i32
    %dma_start3A_16 = tpu.memref_slice %arg7[%dma_start3A_14, %dma_start3A_15] : memref<1000x128xf32, #tpu.memory_space<vmem_shared>> -> memref<1000x128xf32, #tpu.memory_space<vmem_shared>>
    %dma_start3A_17 = tpu.memref_slice %arg8[%dma_start3A_6] : memref<4x!tpu.dma_semaphore, #tpu.memory_space<semaphore_mem>> -> memref<1x!tpu.dma_semaphore, #tpu.memory_space<semaphore_mem>>
    %dma_start3A_18 = tpu.memref_squeeze %dma_start3A_17 : memref<1x!tpu.dma_semaphore, #tpu.memory_space<semaphore_mem>> -> memref<!tpu.dma_semaphore, #tpu.memory_space<semaphore_mem>>
    tpu.enqueue_indirect_dma source(%dma_start3A_16 : memref<1000x128xf32, #tpu.memory_space<vmem_shared>>) target(%dma_start3A_10 : memref<128x128xf32, #tpu.memory_space<vmem>>) offsets(%dma_start3A_13 : memref<128xi32, #tpu.memory_space<vmem>>) semaphore(%dma_start3A_18 : memref<!tpu.dma_semaphore, #tpu.memory_space<semaphore_mem>>)
    %dma_start3A_19 = arith.constant 1 : i32
    %dma_start3A_20 = arith.constant 1 : i32
    %dma_start3A_21 = arith.constant 1 : i32
    %dma_start3A_22 = arith.constant 0 : i32
    %dma_start3A_23 = arith.constant 0 : i32
    %dma_start3A_24 = tpu.memref_slice %arg6[%dma_start3A_20, %dma_start3A_22, %dma_start3A_23] : memref<4x128x128xf32, #tpu.memory_space<vmem>> -> memref<1x128x128xf32, #tpu.memory_space<vmem>>
    %dma_start3A_25 = tpu.memref_squeeze %dma_start3A_24 : memref<1x128x128xf32, #tpu.memory_space<vmem>> -> memref<128x128xf32, #tpu.memory_space<vmem>>
    %dma_start3A_26 = arith.constant 0 : i32
    %dma_start3A_27 = tpu.memref_slice %arg5[%dma_start3A_19, %dma_start3A_26] : memref<100x128xi32, #tpu.memory_space<vmem>> -> memref<1x128xi32, #tpu.memory_space<vmem>>
    %dma_start3A_28 = tpu.memref_squeeze %dma_start3A_27 : memref<1x128xi32, #tpu.memory_space<vmem>> -> memref<128xi32, #tpu.memory_space<vmem>>
    %dma_start3A_29 = arith.constant 0 : i32
    %dma_start3A_30 = arith.constant 0 : i32
    %dma_start3A_31 = tpu.memref_slice %arg7[%dma_start3A_29, %dma_start3A_30] : memref<1000x128xf32, #tpu.memory_space<vmem_shared>> -> memref<1000x128xf32, #tpu.memory_space<vmem_shared>>
    %dma_start3A_32 = tpu.memref_slice %arg8[%dma_start3A_21] : memref<4x!tpu.dma_semaphore, #tpu.memory_space<semaphore_mem>> -> memref<1x!tpu.dma_semaphore, #tpu.memory_space<semaphore_mem>>
    %dma_start3A_33 = tpu.memref_squeeze %dma_start3A_32 : memref<1x!tpu.dma_semaphore, #tpu.memory_space<semaphore_mem>> -> memref<!tpu.dma_semaphore, #tpu.memory_space<semaphore_mem>>
    tpu.enqueue_indirect_dma source(%dma_start3A_31 : memref<1000x128xf32, #tpu.memory_space<vmem_shared>>) target(%dma_start3A_25 : memref<128x128xf32, #tpu.memory_space<vmem>>) offsets(%dma_start3A_28 : memref<128xi32, #tpu.memory_space<vmem>>) semaphore(%dma_start3A_33 : memref<!tpu.dma_semaphore, #tpu.memory_space<semaphore_mem>>)
    %dma_start3A_34 = arith.constant 2 : i32
    %dma_start3A_35 = arith.constant 2 : i32
    %dma_start3A_36 = arith.constant 2 : i32
    %dma_start3A_37 = arith.constant 0 : i32
    %dma_start3A_38 = arith.constant 0 : i32
    %dma_start3A_39 = tpu.memref_slice %arg6[%dma_start3A_35, %dma_start3A_37, %dma_start3A_38] : memref<4x128x128xf32, #tpu.memory_space<vmem>> -> memref<1x128x128xf32, #tpu.memory_space<vmem>>
    %dma_start3A_40 = tpu.memref_squeeze %dma_start3A_39 : memref<1x128x128xf32, #tpu.memory_space<vmem>> -> memref<128x128xf32, #tpu.memory_space<vmem>>
    %dma_start3A_41 = arith.constant 0 : i32
    %dma_start3A_42 = tpu.memref_slice %arg5[%dma_start3A_34, %dma_start3A_41] : memref<100x128xi32, #tpu.memory_space<vmem>> -> memref<1x128xi32, #tpu.memory_space<vmem>>
    %dma_start3A_43 = tpu.memref_squeeze %dma_start3A_42 : memref<1x128xi32, #tpu.memory_space<vmem>> -> memref<128xi32, #tpu.memory_space<vmem>>
    %dma_start3A_44 = arith.constant 0 : i32
    %dma_start3A_45 = arith.constant 0 : i32
    %dma_start3A_46 = tpu.memref_slice %arg7[%dma_start3A_44, %dma_start3A_45] : memref<1000x128xf32, #tpu.memory_space<vmem_shared>> -> memref<1000x128xf32, #tpu.memory_space<vmem_shared>>
    %dma_start3A_47 = tpu.memref_slice %arg8[%dma_start3A_36] : memref<4x!tpu.dma_semaphore, #tpu.memory_space<semaphore_mem>> -> memref<1x!tpu.dma_semaphore, #tpu.memory_space<semaphore_mem>>
    %dma_start3A_48 = tpu.memref_squeeze %dma_start3A_47 : memref<1x!tpu.dma_semaphore, #tpu.memory_space<semaphore_mem>> -> memref<!tpu.dma_semaphore, #tpu.memory_space<semaphore_mem>>
    tpu.enqueue_indirect_dma source(%dma_start3A_46 : memref<1000x128xf32, #tpu.memory_space<vmem_shared>>) target(%dma_start3A_40 : memref<128x128xf32, #tpu.memory_space<vmem>>) offsets(%dma_start3A_43 : memref<128xi32, #tpu.memory_space<vmem>>) semaphore(%dma_start3A_48 : memref<!tpu.dma_semaphore, #tpu.memory_space<semaphore_mem>>)
    %dma_start3A_49 = arith.constant 3 : i32
    %dma_start3A_50 = arith.constant 3 : i32
    %dma_start3A_51 = arith.constant 3 : i32
    %dma_start3A_52 = arith.constant 0 : i32
    %dma_start3A_53 = arith.constant 0 : i32
    %dma_start3A_54 = tpu.memref_slice %arg6[%dma_start3A_50, %dma_start3A_52, %dma_start3A_53] : memref<4x128x128xf32, #tpu.memory_space<vmem>> -> memref<1x128x128xf32, #tpu.memory_space<vmem>>
    %dma_start3A_55 = tpu.memref_squeeze %dma_start3A_54 : memref<1x128x128xf32, #tpu.memory_space<vmem>> -> memref<128x128xf32, #tpu.memory_space<vmem>>
    %dma_start3A_56 = arith.constant 0 : i32
    %dma_start3A_57 = tpu.memref_slice %arg5[%dma_start3A_49, %dma_start3A_56] : memref<100x128xi32, #tpu.memory_space<vmem>> -> memref<1x128xi32, #tpu.memory_space<vmem>>
    %dma_start3A_58 = tpu.memref_squeeze %dma_start3A_57 : memref<1x128xi32, #tpu.memory_space<vmem>> -> memref<128xi32, #tpu.memory_space<vmem>>
    %dma_start3A_59 = arith.constant 0 : i32
    %dma_start3A_60 = arith.constant 0 : i32
    %dma_start3A_61 = tpu.memref_slice %arg7[%dma_start3A_59, %dma_start3A_60] : memref<1000x128xf32, #tpu.memory_space<vmem_shared>> -> memref<1000x128xf32, #tpu.memory_space<vmem_shared>>
    %dma_start3A_62 = tpu.memref_slice %arg8[%dma_start3A_51] : memref<4x!tpu.dma_semaphore, #tpu.memory_space<semaphore_mem>> -> memref<1x!tpu.dma_semaphore, #tpu.memory_space<semaphore_mem>>
    %dma_start3A_63 = tpu.memref_squeeze %dma_start3A_62 : memref<1x!tpu.dma_semaphore, #tpu.memory_space<semaphore_mem>> -> memref<!tpu.dma_semaphore, #tpu.memory_space<semaphore_mem>>
    tpu.enqueue_indirect_dma source(%dma_start3A_61 : memref<1000x128xf32, #tpu.memory_space<vmem_shared>>) target(%dma_start3A_55 : memref<128x128xf32, #tpu.memory_space<vmem>>) offsets(%dma_start3A_58 : memref<128xi32, #tpu.memory_space<vmem>>) semaphore(%dma_start3A_63 : memref<!tpu.dma_semaphore, #tpu.memory_space<semaphore_mem>>)
    %scan3A = arith.constant 0 : i32
    %scan3A_64 = arith.constant 0 : i32
    %scan3A_65 = arith.constant 24 : i32
    %scan3A_66 = arith.addi %scan3A_64, %scan3A_65 : i32
    %scan3A_67 = arith.constant 1 : i32
    scf.for %scan3A_151 = %scan3A_64 to %scan3A_66 step %scan3A_67  : i32 {
      %dma_wait3A_152 = arith.constant 0 : i32
      %dma_wait3A_153 = arith.constant 0 : i32
      %dma_wait3A_154 = arith.constant 0 : i32
      %dma_wait3A_155 = arith.constant 0 : i32
      %dma_wait3A_156 = tpu.memref_slice %arg6[%dma_wait3A_152, %dma_wait3A_154, %dma_wait3A_155] : memref<4x128x128xf32, #tpu.memory_space<vmem>> -> memref<1x128x128xf32, #tpu.memory_space<vmem>>
      %dma_wait3A_157 = tpu.memref_squeeze %dma_wait3A_156 : memref<1x128x128xf32, #tpu.memory_space<vmem>> -> memref<128x128xf32, #tpu.memory_space<vmem>>
      %dma_wait3A_158 = arith.constant 0 : i32
      %dma_wait3A_159 = arith.constant 0 : i32
      %dma_wait3A_160 = tpu.memref_slice %arg7[%dma_wait3A_158, %dma_wait3A_159] : memref<1000x128xf32, #tpu.memory_space<vmem_shared>> -> memref<128x128xf32, #tpu.memory_space<vmem_shared>>
      %dma_wait3A_161 = tpu.memref_slice %arg8[%dma_wait3A_153] : memref<4x!tpu.dma_semaphore, #tpu.memory_space<semaphore_mem>> -> memref<1x!tpu.dma_semaphore, #tpu.memory_space<semaphore_mem>>
      %dma_wait3A_162 = tpu.memref_squeeze %dma_wait3A_161 : memref<1x!tpu.dma_semaphore, #tpu.memory_space<semaphore_mem>> -> memref<!tpu.dma_semaphore, #tpu.memory_space<semaphore_mem>>
      %dma_wait3A_163 = arith.constant 0 : i32
      %dma_wait3A_164 = arith.constant 0 : i32
      %dma_wait3A_165 = tpu.memref_slice %arg6[%dma_wait3A_152, %dma_wait3A_163, %dma_wait3A_164] : memref<4x128x128xf32, #tpu.memory_space<vmem>> -> memref<1x128x128xf32, #tpu.memory_space<vmem>>
      %dma_wait3A_166 = tpu.memref_squeeze %dma_wait3A_165 : memref<1x128x128xf32, #tpu.memory_space<vmem>> -> memref<128x128xf32, #tpu.memory_space<vmem>>
      %dma_wait3A_167 = arith.constant 0 : i32
      %dma_wait3A_168 = arith.constant 0 : i32
      %dma_wait3A_169 = tpu.memref_slice %arg7[%dma_wait3A_167, %dma_wait3A_168] : memref<1000x128xf32, #tpu.memory_space<vmem_shared>> -> memref<128x128xf32, #tpu.memory_space<vmem_shared>>
      tpu.wait_dma2 semaphore(%dma_wait3A_162 : memref<!tpu.dma_semaphore, #tpu.memory_space<semaphore_mem>>) src(%dma_wait3A_169 : memref<128x128xf32, #tpu.memory_space<vmem_shared>>) dst(%dma_wait3A_166 : memref<128x128xf32, #tpu.memory_space<vmem>>)
      %mul3A_170 = arith.constant 4 : i32
      %mul3A_171 = arith.muli %scan3A_151, %mul3A_170 : i32
      %add3A_172 = arith.constant 0 : i32
      %add3A_173 = arith.addi %mul3A_171, %add3A_172 : i32
      %mul3A_174 = arith.constant 4096 : i32
      %mul3A_175 = arith.muli %add3A_173, %mul3A_174 : i32
      %add3A_176 = arith.addi %mul3A_175, %mul3A_2 : i32
      %dma_start3A_177 = arith.constant 0 : i32
      %dma_start3A_178 = arith.constant 0 : i32
      %dma_start3A_179 = arith.constant 0 : i32
      %dma_start3A_180 = arith.constant 0 : i32
      %dma_start3A_181 = tpu.memref_slice %arg6[%dma_start3A_177, %dma_start3A_179, %dma_start3A_180] : memref<4x128x128xf32, #tpu.memory_space<vmem>> -> memref<1x128x128xf32, #tpu.memory_space<vmem>>
      %dma_start3A_182 = tpu.memref_squeeze %dma_start3A_181 : memref<1x128x128xf32, #tpu.memory_space<vmem>> -> memref<128x128xf32, #tpu.memory_space<vmem>>
      %dma_start3A_183 = arith.constant 0 : i32
      %dma_start3A_184 = tpu.memref_slice %arg4[%add3A_176, %dma_start3A_183] : memref<409600x128xf32, #tpu.memory_space<hbm>> -> memref<128x128xf32, #tpu.memory_space<hbm>>
      %dma_start3A_185 = tpu.memref_slice %arg9[%dma_start3A_178] : memref<4x!tpu.dma_semaphore, #tpu.memory_space<semaphore_mem>> -> memref<1x!tpu.dma_semaphore, #tpu.memory_space<semaphore_mem>>
      %dma_start3A_186 = tpu.memref_squeeze %dma_start3A_185 : memref<1x!tpu.dma_semaphore, #tpu.memory_space<semaphore_mem>> -> memref<!tpu.dma_semaphore, #tpu.memory_space<semaphore_mem>>
      %dma_start3A_187 = arith.constant 0 : i32
      %dma_start3A_188 = tpu.memref_slice %arg4[%add3A_176, %dma_start3A_187] : memref<409600x128xf32, #tpu.memory_space<hbm>> -> memref<128x128xf32, #tpu.memory_space<hbm>>
      %dma_start3A_189 = arith.constant 0 : i32
      %dma_start3A_190 = arith.constant 0 : i32
      %dma_start3A_191 = tpu.memref_slice %arg6[%dma_start3A_177, %dma_start3A_189, %dma_start3A_190] : memref<4x128x128xf32, #tpu.memory_space<vmem>> -> memref<1x128x128xf32, #tpu.memory_space<vmem>>
      %dma_start3A_192 = tpu.memref_squeeze %dma_start3A_191 : memref<1x128x128xf32, #tpu.memory_space<vmem>> -> memref<128x128xf32, #tpu.memory_space<vmem>>
      tpu.enqueue_dma source(%dma_start3A_192 : memref<128x128xf32, #tpu.memory_space<vmem>>) target(%dma_start3A_188 : memref<128x128xf32, #tpu.memory_space<hbm>>) target_semaphore(%dma_start3A_186 : memref<!tpu.dma_semaphore, #tpu.memory_space<semaphore_mem>>)
      %dma_wait3A_193 = arith.constant 1 : i32
      %dma_wait3A_194 = arith.constant 1 : i32
      %dma_wait3A_195 = arith.constant 0 : i32
      %dma_wait3A_196 = arith.constant 0 : i32
      %dma_wait3A_197 = tpu.memref_slice %arg6[%dma_wait3A_193, %dma_wait3A_195, %dma_wait3A_196] : memref<4x128x128xf32, #tpu.memory_space<vmem>> -> memref<1x128x128xf32, #tpu.memory_space<vmem>>
      %dma_wait3A_198 = tpu.memref_squeeze %dma_wait3A_197 : memref<1x128x128xf32, #tpu.memory_space<vmem>> -> memref<128x128xf32, #tpu.memory_space<vmem>>
      %dma_wait3A_199 = arith.constant 0 : i32
      %dma_wait3A_200 = arith.constant 0 : i32
      %dma_wait3A_201 = tpu.memref_slice %arg7[%dma_wait3A_199, %dma_wait3A_200] : memref<1000x128xf32, #tpu.memory_space<vmem_shared>> -> memref<128x128xf32, #tpu.memory_space<vmem_shared>>
      %dma_wait3A_202 = tpu.memref_slice %arg8[%dma_wait3A_194] : memref<4x!tpu.dma_semaphore, #tpu.memory_space<semaphore_mem>> -> memref<1x!tpu.dma_semaphore, #tpu.memory_space<semaphore_mem>>
      %dma_wait3A_203 = tpu.memref_squeeze %dma_wait3A_202 : memref<1x!tpu.dma_semaphore, #tpu.memory_space<semaphore_mem>> -> memref<!tpu.dma_semaphore, #tpu.memory_space<semaphore_mem>>
      %dma_wait3A_204 = arith.constant 0 : i32
      %dma_wait3A_205 = arith.constant 0 : i32
      %dma_wait3A_206 = tpu.memref_slice %arg6[%dma_wait3A_193, %dma_wait3A_204, %dma_wait3A_205] : memref<4x128x128xf32, #tpu.memory_space<vmem>> -> memref<1x128x128xf32, #tpu.memory_space<vmem>>
      %dma_wait3A_207 = tpu.memref_squeeze %dma_wait3A_206 : memref<1x128x128xf32, #tpu.memory_space<vmem>> -> memref<128x128xf32, #tpu.memory_space<vmem>>
      %dma_wait3A_208 = arith.constant 0 : i32
      %dma_wait3A_209 = arith.constant 0 : i32
      %dma_wait3A_210 = tpu.memref_slice %arg7[%dma_wait3A_208, %dma_wait3A_209] : memref<1000x128xf32, #tpu.memory_space<vmem_shared>> -> memref<128x128xf32, #tpu.memory_space<vmem_shared>>
      tpu.wait_dma2 semaphore(%dma_wait3A_203 : memref<!tpu.dma_semaphore, #tpu.memory_space<semaphore_mem>>) src(%dma_wait3A_210 : memref<128x128xf32, #tpu.memory_space<vmem_shared>>) dst(%dma_wait3A_207 : memref<128x128xf32, #tpu.memory_space<vmem>>)
      %mul3A_211 = arith.constant 4 : i32
      %mul3A_212 = arith.muli %scan3A_151, %mul3A_211 : i32
      %add3A_213 = arith.constant 1 : i32
      %add3A_214 = arith.addi %mul3A_212, %add3A_213 : i32
      %mul3A_215 = arith.constant 4096 : i32
      %mul3A_216 = arith.muli %add3A_214, %mul3A_215 : i32
      %add3A_217 = arith.addi %mul3A_216, %mul3A_2 : i32
      %dma_start3A_218 = arith.constant 1 : i32
      %dma_start3A_219 = arith.constant 1 : i32
      %dma_start3A_220 = arith.constant 0 : i32
      %dma_start3A_221 = arith.constant 0 : i32
      %dma_start3A_222 = tpu.memref_slice %arg6[%dma_start3A_218, %dma_start3A_220, %dma_start3A_221] : memref<4x128x128xf32, #tpu.memory_space<vmem>> -> memref<1x128x128xf32, #tpu.memory_space<vmem>>
      %dma_start3A_223 = tpu.memref_squeeze %dma_start3A_222 : memref<1x128x128xf32, #tpu.memory_space<vmem>> -> memref<128x128xf32, #tpu.memory_space<vmem>>
      %dma_start3A_224 = arith.constant 0 : i32
      %dma_start3A_225 = tpu.memref_slice %arg4[%add3A_217, %dma_start3A_224] : memref<409600x128xf32, #tpu.memory_space<hbm>> -> memref<128x128xf32, #tpu.memory_space<hbm>>
      %dma_start3A_226 = tpu.memref_slice %arg9[%dma_start3A_219] : memref<4x!tpu.dma_semaphore, #tpu.memory_space<semaphore_mem>> -> memref<1x!tpu.dma_semaphore, #tpu.memory_space<semaphore_mem>>
      %dma_start3A_227 = tpu.memref_squeeze %dma_start3A_226 : memref<1x!tpu.dma_semaphore, #tpu.memory_space<semaphore_mem>> -> memref<!tpu.dma_semaphore, #tpu.memory_space<semaphore_mem>>
      %dma_start3A_228 = arith.constant 0 : i32
      %dma_start3A_229 = tpu.memref_slice %arg4[%add3A_217, %dma_start3A_228] : memref<409600x128xf32, #tpu.memory_space<hbm>> -> memref<128x128xf32, #tpu.memory_space<hbm>>
      %dma_start3A_230 = arith.constant 0 : i32
      %dma_start3A_231 = arith.constant 0 : i32
      %dma_start3A_232 = tpu.memref_slice %arg6[%dma_start3A_218, %dma_start3A_230, %dma_start3A_231] : memref<4x128x128xf32, #tpu.memory_space<vmem>> -> memref<1x128x128xf32, #tpu.memory_space<vmem>>
      %dma_start3A_233 = tpu.memref_squeeze %dma_start3A_232 : memref<1x128x128xf32, #tpu.memory_space<vmem>> -> memref<128x128xf32, #tpu.memory_space<vmem>>
      tpu.enqueue_dma source(%dma_start3A_233 : memref<128x128xf32, #tpu.memory_space<vmem>>) target(%dma_start3A_229 : memref<128x128xf32, #tpu.memory_space<hbm>>) target_semaphore(%dma_start3A_227 : memref<!tpu.dma_semaphore, #tpu.memory_space<semaphore_mem>>)
      %dma_wait3A_234 = arith.constant 2 : i32
      %dma_wait3A_235 = arith.constant 2 : i32
      %dma_wait3A_236 = arith.constant 0 : i32
      %dma_wait3A_237 = arith.constant 0 : i32
      %dma_wait3A_238 = tpu.memref_slice %arg6[%dma_wait3A_234, %dma_wait3A_236, %dma_wait3A_237] : memref<4x128x128xf32, #tpu.memory_space<vmem>> -> memref<1x128x128xf32, #tpu.memory_space<vmem>>
      %dma_wait3A_239 = tpu.memref_squeeze %dma_wait3A_238 : memref<1x128x128xf32, #tpu.memory_space<vmem>> -> memref<128x128xf32, #tpu.memory_space<vmem>>
      %dma_wait3A_240 = arith.constant 0 : i32
      %dma_wait3A_241 = arith.constant 0 : i32
      %dma_wait3A_242 = tpu.memref_slice %arg7[%dma_wait3A_240, %dma_wait3A_241] : memref<1000x128xf32, #tpu.memory_space<vmem_shared>> -> memref<128x128xf32, #tpu.memory_space<vmem_shared>>
      %dma_wait3A_243 = tpu.memref_slice %arg8[%dma_wait3A_235] : memref<4x!tpu.dma_semaphore, #tpu.memory_space<semaphore_mem>> -> memref<1x!tpu.dma_semaphore, #tpu.memory_space<semaphore_mem>>
      %dma_wait3A_244 = tpu.memref_squeeze %dma_wait3A_243 : memref<1x!tpu.dma_semaphore, #tpu.memory_space<semaphore_mem>> -> memref<!tpu.dma_semaphore, #tpu.memory_space<semaphore_mem>>
      %dma_wait3A_245 = arith.constant 0 : i32
      %dma_wait3A_246 = arith.constant 0 : i32
      %dma_wait3A_247 = tpu.memref_slice %arg6[%dma_wait3A_234, %dma_wait3A_245, %dma_wait3A_246] : memref<4x128x128xf32, #tpu.memory_space<vmem>> -> memref<1x128x128xf32, #tpu.memory_space<vmem>>
      %dma_wait3A_248 = tpu.memref_squeeze %dma_wait3A_247 : memref<1x128x128xf32, #tpu.memory_space<vmem>> -> memref<128x128xf32, #tpu.memory_space<vmem>>
      %dma_wait3A_249 = arith.constant 0 : i32
      %dma_wait3A_250 = arith.constant 0 : i32
      %dma_wait3A_251 = tpu.memref_slice %arg7[%dma_wait3A_249, %dma_wait3A_250] : memref<1000x128xf32, #tpu.memory_space<vmem_shared>> -> memref<128x128xf32, #tpu.memory_space<vmem_shared>>
      tpu.wait_dma2 semaphore(%dma_wait3A_244 : memref<!tpu.dma_semaphore, #tpu.memory_space<semaphore_mem>>) src(%dma_wait3A_251 : memref<128x128xf32, #tpu.memory_space<vmem_shared>>) dst(%dma_wait3A_248 : memref<128x128xf32, #tpu.memory_space<vmem>>)
      %mul3A_252 = arith.constant 4 : i32
      %mul3A_253 = arith.muli %scan3A_151, %mul3A_252 : i32
      %add3A_254 = arith.constant 2 : i32
      %add3A_255 = arith.addi %mul3A_253, %add3A_254 : i32
      %mul3A_256 = arith.constant 4096 : i32
      %mul3A_257 = arith.muli %add3A_255, %mul3A_256 : i32
      %add3A_258 = arith.addi %mul3A_257, %mul3A_2 : i32
      %dma_start3A_259 = arith.constant 2 : i32
      %dma_start3A_260 = arith.constant 2 : i32
      %dma_start3A_261 = arith.constant 0 : i32
      %dma_start3A_262 = arith.constant 0 : i32
      %dma_start3A_263 = tpu.memref_slice %arg6[%dma_start3A_259, %dma_start3A_261, %dma_start3A_262] : memref<4x128x128xf32, #tpu.memory_space<vmem>> -> memref<1x128x128xf32, #tpu.memory_space<vmem>>
      %dma_start3A_264 = tpu.memref_squeeze %dma_start3A_263 : memref<1x128x128xf32, #tpu.memory_space<vmem>> -> memref<128x128xf32, #tpu.memory_space<vmem>>
      %dma_start3A_265 = arith.constant 0 : i32
      %dma_start3A_266 = tpu.memref_slice %arg4[%add3A_258, %dma_start3A_265] : memref<409600x128xf32, #tpu.memory_space<hbm>> -> memref<128x128xf32, #tpu.memory_space<hbm>>
      %dma_start3A_267 = tpu.memref_slice %arg9[%dma_start3A_260] : memref<4x!tpu.dma_semaphore, #tpu.memory_space<semaphore_mem>> -> memref<1x!tpu.dma_semaphore, #tpu.memory_space<semaphore_mem>>
      %dma_start3A_268 = tpu.memref_squeeze %dma_start3A_267 : memref<1x!tpu.dma_semaphore, #tpu.memory_space<semaphore_mem>> -> memref<!tpu.dma_semaphore, #tpu.memory_space<semaphore_mem>>
      %dma_start3A_269 = arith.constant 0 : i32
      %dma_start3A_270 = tpu.memref_slice %arg4[%add3A_258, %dma_start3A_269] : memref<409600x128xf32, #tpu.memory_space<hbm>> -> memref<128x128xf32, #tpu.memory_space<hbm>>
      %dma_start3A_271 = arith.constant 0 : i32
      %dma_start3A_272 = arith.constant 0 : i32
      %dma_start3A_273 = tpu.memref_slice %arg6[%dma_start3A_259, %dma_start3A_271, %dma_start3A_272] : memref<4x128x128xf32, #tpu.memory_space<vmem>> -> memref<1x128x128xf32, #tpu.memory_space<vmem>>
      %dma_start3A_274 = tpu.memref_squeeze %dma_start3A_273 : memref<1x128x128xf32, #tpu.memory_space<vmem>> -> memref<128x128xf32, #tpu.memory_space<vmem>>
      tpu.enqueue_dma source(%dma_start3A_274 : memref<128x128xf32, #tpu.memory_space<vmem>>) target(%dma_start3A_270 : memref<128x128xf32, #tpu.memory_space<hbm>>) target_semaphore(%dma_start3A_268 : memref<!tpu.dma_semaphore, #tpu.memory_space<semaphore_mem>>)
      %dma_wait3A_275 = arith.constant 3 : i32
      %dma_wait3A_276 = arith.constant 3 : i32
      %dma_wait3A_277 = arith.constant 0 : i32
      %dma_wait3A_278 = arith.constant 0 : i32
      %dma_wait3A_279 = tpu.memref_slice %arg6[%dma_wait3A_275, %dma_wait3A_277, %dma_wait3A_278] : memref<4x128x128xf32, #tpu.memory_space<vmem>> -> memref<1x128x128xf32, #tpu.memory_space<vmem>>
      %dma_wait3A_280 = tpu.memref_squeeze %dma_wait3A_279 : memref<1x128x128xf32, #tpu.memory_space<vmem>> -> memref<128x128xf32, #tpu.memory_space<vmem>>
      %dma_wait3A_281 = arith.constant 0 : i32
      %dma_wait3A_282 = arith.constant 0 : i32
      %dma_wait3A_283 = tpu.memref_slice %arg7[%dma_wait3A_281, %dma_wait3A_282] : memref<1000x128xf32, #tpu.memory_space<vmem_shared>> -> memref<128x128xf32, #tpu.memory_space<vmem_shared>>
      %dma_wait3A_284 = tpu.memref_slice %arg8[%dma_wait3A_276] : memref<4x!tpu.dma_semaphore, #tpu.memory_space<semaphore_mem>> -> memref<1x!tpu.dma_semaphore, #tpu.memory_space<semaphore_mem>>
      %dma_wait3A_285 = tpu.memref_squeeze %dma_wait3A_284 : memref<1x!tpu.dma_semaphore, #tpu.memory_space<semaphore_mem>> -> memref<!tpu.dma_semaphore, #tpu.memory_space<semaphore_mem>>
      %dma_wait3A_286 = arith.constant 0 : i32
      %dma_wait3A_287 = arith.constant 0 : i32
      %dma_wait3A_288 = tpu.memref_slice %arg6[%dma_wait3A_275, %dma_wait3A_286, %dma_wait3A_287] : memref<4x128x128xf32, #tpu.memory_space<vmem>> -> memref<1x128x128xf32, #tpu.memory_space<vmem>>
      %dma_wait3A_289 = tpu.memref_squeeze %dma_wait3A_288 : memref<1x128x128xf32, #tpu.memory_space<vmem>> -> memref<128x128xf32, #tpu.memory_space<vmem>>
      %dma_wait3A_290 = arith.constant 0 : i32
      %dma_wait3A_291 = arith.constant 0 : i32
      %dma_wait3A_292 = tpu.memref_slice %arg7[%dma_wait3A_290, %dma_wait3A_291] : memref<1000x128xf32, #tpu.memory_space<vmem_shared>> -> memref<128x128xf32, #tpu.memory_space<vmem_shared>>
      tpu.wait_dma2 semaphore(%dma_wait3A_285 : memref<!tpu.dma_semaphore, #tpu.memory_space<semaphore_mem>>) src(%dma_wait3A_292 : memref<128x128xf32, #tpu.memory_space<vmem_shared>>) dst(%dma_wait3A_289 : memref<128x128xf32, #tpu.memory_space<vmem>>)
      %mul3A_293 = arith.constant 4 : i32
      %mul3A_294 = arith.muli %scan3A_151, %mul3A_293 : i32
      %add3A_295 = arith.constant 3 : i32
      %add3A_296 = arith.addi %mul3A_294, %add3A_295 : i32
      %mul3A_297 = arith.constant 4096 : i32
      %mul3A_298 = arith.muli %add3A_296, %mul3A_297 : i32
      %add3A_299 = arith.addi %mul3A_298, %mul3A_2 : i32
      %dma_start3A_300 = arith.constant 3 : i32
      %dma_start3A_301 = arith.constant 3 : i32
      %dma_start3A_302 = arith.constant 0 : i32
      %dma_start3A_303 = arith.constant 0 : i32
      %dma_start3A_304 = tpu.memref_slice %arg6[%dma_start3A_300, %dma_start3A_302, %dma_start3A_303] : memref<4x128x128xf32, #tpu.memory_space<vmem>> -> memref<1x128x128xf32, #tpu.memory_space<vmem>>
      %dma_start3A_305 = tpu.memref_squeeze %dma_start3A_304 : memref<1x128x128xf32, #tpu.memory_space<vmem>> -> memref<128x128xf32, #tpu.memory_space<vmem>>
      %dma_start3A_306 = arith.constant 0 : i32
      %dma_start3A_307 = tpu.memref_slice %arg4[%add3A_299, %dma_start3A_306] : memref<409600x128xf32, #tpu.memory_space<hbm>> -> memref<128x128xf32, #tpu.memory_space<hbm>>
      %dma_start3A_308 = tpu.memref_slice %arg9[%dma_start3A_301] : memref<4x!tpu.dma_semaphore, #tpu.memory_space<semaphore_mem>> -> memref<1x!tpu.dma_semaphore, #tpu.memory_space<semaphore_mem>>
      %dma_start3A_309 = tpu.memref_squeeze %dma_start3A_308 : memref<1x!tpu.dma_semaphore, #tpu.memory_space<semaphore_mem>> -> memref<!tpu.dma_semaphore, #tpu.memory_space<semaphore_mem>>
      %dma_start3A_310 = arith.constant 0 : i32
      %dma_start3A_311 = tpu.memref_slice %arg4[%add3A_299, %dma_start3A_310] : memref<409600x128xf32, #tpu.memory_space<hbm>> -> memref<128x128xf32, #tpu.memory_space<hbm>>
      %dma_start3A_312 = arith.constant 0 : i32
      %dma_start3A_313 = arith.constant 0 : i32
      %dma_start3A_314 = tpu.memref_slice %arg6[%dma_start3A_300, %dma_start3A_312, %dma_start3A_313] : memref<4x128x128xf32, #tpu.memory_space<vmem>> -> memref<1x128x128xf32, #tpu.memory_space<vmem>>
      %dma_start3A_315 = tpu.memref_squeeze %dma_start3A_314 : memref<1x128x128xf32, #tpu.memory_space<vmem>> -> memref<128x128xf32, #tpu.memory_space<vmem>>
      tpu.enqueue_dma source(%dma_start3A_315 : memref<128x128xf32, #tpu.memory_space<vmem>>) target(%dma_start3A_311 : memref<128x128xf32, #tpu.memory_space<hbm>>) target_semaphore(%dma_start3A_309 : memref<!tpu.dma_semaphore, #tpu.memory_space<semaphore_mem>>)
      %dma_wait3A_316 = arith.constant 0 : i32
      %dma_wait3A_317 = arith.constant 0 : i32
      %dma_wait3A_318 = arith.constant 0 : i32
      %dma_wait3A_319 = arith.constant 0 : i32
      %dma_wait3A_320 = tpu.memref_slice %arg6[%dma_wait3A_316, %dma_wait3A_318, %dma_wait3A_319] : memref<4x128x128xf32, #tpu.memory_space<vmem>> -> memref<1x128x128xf32, #tpu.memory_space<vmem>>
      %dma_wait3A_321 = tpu.memref_squeeze %dma_wait3A_320 : memref<1x128x128xf32, #tpu.memory_space<vmem>> -> memref<128x128xf32, #tpu.memory_space<vmem>>
      %dma_wait3A_322 = arith.constant 0 : i32
      %dma_wait3A_323 = arith.constant 0 : i32
      %dma_wait3A_324 = tpu.memref_slice %arg4[%dma_wait3A_322, %dma_wait3A_323] : memref<409600x128xf32, #tpu.memory_space<hbm>> -> memref<128x128xf32, #tpu.memory_space<hbm>>
      %dma_wait3A_325 = tpu.memref_slice %arg9[%dma_wait3A_317] : memref<4x!tpu.dma_semaphore, #tpu.memory_space<semaphore_mem>> -> memref<1x!tpu.dma_semaphore, #tpu.memory_space<semaphore_mem>>
      %dma_wait3A_326 = tpu.memref_squeeze %dma_wait3A_325 : memref<1x!tpu.dma_semaphore, #tpu.memory_space<semaphore_mem>> -> memref<!tpu.dma_semaphore, #tpu.memory_space<semaphore_mem>>
      %dma_wait3A_327 = arith.constant 0 : i32
      %dma_wait3A_328 = arith.constant 0 : i32
      %dma_wait3A_329 = tpu.memref_slice %arg4[%dma_wait3A_327, %dma_wait3A_328] : memref<409600x128xf32, #tpu.memory_space<hbm>> -> memref<128x128xf32, #tpu.memory_space<hbm>>
      %dma_wait3A_330 = arith.constant 0 : i32
      %dma_wait3A_331 = arith.constant 0 : i32
      %dma_wait3A_332 = tpu.memref_slice %arg6[%dma_wait3A_316, %dma_wait3A_330, %dma_wait3A_331] : memref<4x128x128xf32, #tpu.memory_space<vmem>> -> memref<1x128x128xf32, #tpu.memory_space<vmem>>
      %dma_wait3A_333 = tpu.memref_squeeze %dma_wait3A_332 : memref<1x128x128xf32, #tpu.memory_space<vmem>> -> memref<128x128xf32, #tpu.memory_space<vmem>>
      tpu.wait_dma2 semaphore(%dma_wait3A_326 : memref<!tpu.dma_semaphore, #tpu.memory_space<semaphore_mem>>) src(%dma_wait3A_333 : memref<128x128xf32, #tpu.memory_space<vmem>>) dst(%dma_wait3A_329 : memref<128x128xf32, #tpu.memory_space<hbm>>)
      %mul3A_334 = arith.constant 4 : i32
      %mul3A_335 = arith.muli %scan3A_151, %mul3A_334 : i32
      %add3A_336 = arith.constant 0 : i32
      %add3A_337 = arith.addi %mul3A_335, %add3A_336 : i32
      %add3A_338 = arith.constant 4 : i32
      %add3A_339 = arith.addi %add3A_337, %add3A_338 : i32
      %dma_start3A_340 = arith.constant 0 : i32
      %dma_start3A_341 = arith.constant 0 : i32
      %dma_start3A_342 = arith.constant 0 : i32
      %dma_start3A_343 = arith.constant 0 : i32
      %dma_start3A_344 = tpu.memref_slice %arg6[%dma_start3A_340, %dma_start3A_342, %dma_start3A_343] : memref<4x128x128xf32, #tpu.memory_space<vmem>> -> memref<1x128x128xf32, #tpu.memory_space<vmem>>
      %dma_start3A_345 = tpu.memref_squeeze %dma_start3A_344 : memref<1x128x128xf32, #tpu.memory_space<vmem>> -> memref<128x128xf32, #tpu.memory_space<vmem>>
      %dma_start3A_346 = arith.constant 0 : i32
      %dma_start3A_347 = tpu.memref_slice %arg5[%add3A_339, %dma_start3A_346] : memref<100x128xi32, #tpu.memory_space<vmem>> -> memref<1x128xi32, #tpu.memory_space<vmem>>
      %dma_start3A_348 = tpu.memref_squeeze %dma_start3A_347 : memref<1x128xi32, #tpu.memory_space<vmem>> -> memref<128xi32, #tpu.memory_space<vmem>>
      %dma_start3A_349 = arith.constant 0 : i32
      %dma_start3A_350 = arith.constant 0 : i32
      %dma_start3A_351 = tpu.memref_slice %arg7[%dma_start3A_349, %dma_start3A_350] : memref<1000x128xf32, #tpu.memory_space<vmem_shared>> -> memref<1000x128xf32, #tpu.memory_space<vmem_shared>>
      %dma_start3A_352 = tpu.memref_slice %arg8[%dma_start3A_341] : memref<4x!tpu.dma_semaphore, #tpu.memory_space<semaphore_mem>> -> memref<1x!tpu.dma_semaphore, #tpu.memory_space<semaphore_mem>>
      %dma_start3A_353 = tpu.memref_squeeze %dma_start3A_352 : memref<1x!tpu.dma_semaphore, #tpu.memory_space<semaphore_mem>> -> memref<!tpu.dma_semaphore, #tpu.memory_space<semaphore_mem>>
      tpu.enqueue_indirect_dma source(%dma_start3A_351 : memref<1000x128xf32, #tpu.memory_space<vmem_shared>>) target(%dma_start3A_345 : memref<128x128xf32, #tpu.memory_space<vmem>>) offsets(%dma_start3A_348 : memref<128xi32, #tpu.memory_space<vmem>>) semaphore(%dma_start3A_353 : memref<!tpu.dma_semaphore, #tpu.memory_space<semaphore_mem>>)
      %dma_wait3A_354 = arith.constant 1 : i32
      %dma_wait3A_355 = arith.constant 1 : i32
      %dma_wait3A_356 = arith.constant 0 : i32
      %dma_wait3A_357 = arith.constant 0 : i32
      %dma_wait3A_358 = tpu.memref_slice %arg6[%dma_wait3A_354, %dma_wait3A_356, %dma_wait3A_357] : memref<4x128x128xf32, #tpu.memory_space<vmem>> -> memref<1x128x128xf32, #tpu.memory_space<vmem>>
      %dma_wait3A_359 = tpu.memref_squeeze %dma_wait3A_358 : memref<1x128x128xf32, #tpu.memory_space<vmem>> -> memref<128x128xf32, #tpu.memory_space<vmem>>
      %dma_wait3A_360 = arith.constant 0 : i32
      %dma_wait3A_361 = arith.constant 0 : i32
      %dma_wait3A_362 = tpu.memref_slice %arg4[%dma_wait3A_360, %dma_wait3A_361] : memref<409600x128xf32, #tpu.memory_space<hbm>> -> memref<128x128xf32, #tpu.memory_space<hbm>>
      %dma_wait3A_363 = tpu.memref_slice %arg9[%dma_wait3A_355] : memref<4x!tpu.dma_semaphore, #tpu.memory_space<semaphore_mem>> -> memref<1x!tpu.dma_semaphore, #tpu.memory_space<semaphore_mem>>
      %dma_wait3A_364 = tpu.memref_squeeze %dma_wait3A_363 : memref<1x!tpu.dma_semaphore, #tpu.memory_space<semaphore_mem>> -> memref<!tpu.dma_semaphore, #tpu.memory_space<semaphore_mem>>
      %dma_wait3A_365 = arith.constant 0 : i32
      %dma_wait3A_366 = arith.constant 0 : i32
      %dma_wait3A_367 = tpu.memref_slice %arg4[%dma_wait3A_365, %dma_wait3A_366] : memref<409600x128xf32, #tpu.memory_space<hbm>> -> memref<128x128xf32, #tpu.memory_space<hbm>>
      %dma_wait3A_368 = arith.constant 0 : i32
      %dma_wait3A_369 = arith.constant 0 : i32
      %dma_wait3A_370 = tpu.memref_slice %arg6[%dma_wait3A_354, %dma_wait3A_368, %dma_wait3A_369] : memref<4x128x128xf32, #tpu.memory_space<vmem>> -> memref<1x128x128xf32, #tpu.memory_space<vmem>>
      %dma_wait3A_371 = tpu.memref_squeeze %dma_wait3A_370 : memref<1x128x128xf32, #tpu.memory_space<vmem>> -> memref<128x128xf32, #tpu.memory_space<vmem>>
      tpu.wait_dma2 semaphore(%dma_wait3A_364 : memref<!tpu.dma_semaphore, #tpu.memory_space<semaphore_mem>>) src(%dma_wait3A_371 : memref<128x128xf32, #tpu.memory_space<vmem>>) dst(%dma_wait3A_367 : memref<128x128xf32, #tpu.memory_space<hbm>>)
      %mul3A_372 = arith.constant 4 : i32
      %mul3A_373 = arith.muli %scan3A_151, %mul3A_372 : i32
      %add3A_374 = arith.constant 1 : i32
      %add3A_375 = arith.addi %mul3A_373, %add3A_374 : i32
      %add3A_376 = arith.constant 4 : i32
      %add3A_377 = arith.addi %add3A_375, %add3A_376 : i32
      %dma_start3A_378 = arith.constant 1 : i32
      %dma_start3A_379 = arith.constant 1 : i32
      %dma_start3A_380 = arith.constant 0 : i32
      %dma_start3A_381 = arith.constant 0 : i32
      %dma_start3A_382 = tpu.memref_slice %arg6[%dma_start3A_378, %dma_start3A_380, %dma_start3A_381] : memref<4x128x128xf32, #tpu.memory_space<vmem>> -> memref<1x128x128xf32, #tpu.memory_space<vmem>>
      %dma_start3A_383 = tpu.memref_squeeze %dma_start3A_382 : memref<1x128x128xf32, #tpu.memory_space<vmem>> -> memref<128x128xf32, #tpu.memory_space<vmem>>
      %dma_start3A_384 = arith.constant 0 : i32
      %dma_start3A_385 = tpu.memref_slice %arg5[%add3A_377, %dma_start3A_384] : memref<100x128xi32, #tpu.memory_space<vmem>> -> memref<1x128xi32, #tpu.memory_space<vmem>>
      %dma_start3A_386 = tpu.memref_squeeze %dma_start3A_385 : memref<1x128xi32, #tpu.memory_space<vmem>> -> memref<128xi32, #tpu.memory_space<vmem>>
      %dma_start3A_387 = arith.constant 0 : i32
      %dma_start3A_388 = arith.constant 0 : i32
      %dma_start3A_389 = tpu.memref_slice %arg7[%dma_start3A_387, %dma_start3A_388] : memref<1000x128xf32, #tpu.memory_space<vmem_shared>> -> memref<1000x128xf32, #tpu.memory_space<vmem_shared>>
      %dma_start3A_390 = tpu.memref_slice %arg8[%dma_start3A_379] : memref<4x!tpu.dma_semaphore, #tpu.memory_space<semaphore_mem>> -> memref<1x!tpu.dma_semaphore, #tpu.memory_space<semaphore_mem>>
      %dma_start3A_391 = tpu.memref_squeeze %dma_start3A_390 : memref<1x!tpu.dma_semaphore, #tpu.memory_space<semaphore_mem>> -> memref<!tpu.dma_semaphore, #tpu.memory_space<semaphore_mem>>
      tpu.enqueue_indirect_dma source(%dma_start3A_389 : memref<1000x128xf32, #tpu.memory_space<vmem_shared>>) target(%dma_start3A_383 : memref<128x128xf32, #tpu.memory_space<vmem>>) offsets(%dma_start3A_386 : memref<128xi32, #tpu.memory_space<vmem>>) semaphore(%dma_start3A_391 : memref<!tpu.dma_semaphore, #tpu.memory_space<semaphore_mem>>)
      %dma_wait3A_392 = arith.constant 2 : i32
      %dma_wait3A_393 = arith.constant 2 : i32
      %dma_wait3A_394 = arith.constant 0 : i32
      %dma_wait3A_395 = arith.constant 0 : i32
      %dma_wait3A_396 = tpu.memref_slice %arg6[%dma_wait3A_392, %dma_wait3A_394, %dma_wait3A_395] : memref<4x128x128xf32, #tpu.memory_space<vmem>> -> memref<1x128x128xf32, #tpu.memory_space<vmem>>
      %dma_wait3A_397 = tpu.memref_squeeze %dma_wait3A_396 : memref<1x128x128xf32, #tpu.memory_space<vmem>> -> memref<128x128xf32, #tpu.memory_space<vmem>>
      %dma_wait3A_398 = arith.constant 0 : i32
      %dma_wait3A_399 = arith.constant 0 : i32
      %dma_wait3A_400 = tpu.memref_slice %arg4[%dma_wait3A_398, %dma_wait3A_399] : memref<409600x128xf32, #tpu.memory_space<hbm>> -> memref<128x128xf32, #tpu.memory_space<hbm>>
      %dma_wait3A_401 = tpu.memref_slice %arg9[%dma_wait3A_393] : memref<4x!tpu.dma_semaphore, #tpu.memory_space<semaphore_mem>> -> memref<1x!tpu.dma_semaphore, #tpu.memory_space<semaphore_mem>>
      %dma_wait3A_402 = tpu.memref_squeeze %dma_wait3A_401 : memref<1x!tpu.dma_semaphore, #tpu.memory_space<semaphore_mem>> -> memref<!tpu.dma_semaphore, #tpu.memory_space<semaphore_mem>>
      %dma_wait3A_403 = arith.constant 0 : i32
      %dma_wait3A_404 = arith.constant 0 : i32
      %dma_wait3A_405 = tpu.memref_slice %arg4[%dma_wait3A_403, %dma_wait3A_404] : memref<409600x128xf32, #tpu.memory_space<hbm>> -> memref<128x128xf32, #tpu.memory_space<hbm>>
      %dma_wait3A_406 = arith.constant 0 : i32
      %dma_wait3A_407 = arith.constant 0 : i32
      %dma_wait3A_408 = tpu.memref_slice %arg6[%dma_wait3A_392, %dma_wait3A_406, %dma_wait3A_407] : memref<4x128x128xf32, #tpu.memory_space<vmem>> -> memref<1x128x128xf32, #tpu.memory_space<vmem>>
      %dma_wait3A_409 = tpu.memref_squeeze %dma_wait3A_408 : memref<1x128x128xf32, #tpu.memory_space<vmem>> -> memref<128x128xf32, #tpu.memory_space<vmem>>
      tpu.wait_dma2 semaphore(%dma_wait3A_402 : memref<!tpu.dma_semaphore, #tpu.memory_space<semaphore_mem>>) src(%dma_wait3A_409 : memref<128x128xf32, #tpu.memory_space<vmem>>) dst(%dma_wait3A_405 : memref<128x128xf32, #tpu.memory_space<hbm>>)
      %mul3A_410 = arith.constant 4 : i32
      %mul3A_411 = arith.muli %scan3A_151, %mul3A_410 : i32
      %add3A_412 = arith.constant 2 : i32
      %add3A_413 = arith.addi %mul3A_411, %add3A_412 : i32
      %add3A_414 = arith.constant 4 : i32
      %add3A_415 = arith.addi %add3A_413, %add3A_414 : i32
      %dma_start3A_416 = arith.constant 2 : i32
      %dma_start3A_417 = arith.constant 2 : i32
      %dma_start3A_418 = arith.constant 0 : i32
      %dma_start3A_419 = arith.constant 0 : i32
      %dma_start3A_420 = tpu.memref_slice %arg6[%dma_start3A_416, %dma_start3A_418, %dma_start3A_419] : memref<4x128x128xf32, #tpu.memory_space<vmem>> -> memref<1x128x128xf32, #tpu.memory_space<vmem>>
      %dma_start3A_421 = tpu.memref_squeeze %dma_start3A_420 : memref<1x128x128xf32, #tpu.memory_space<vmem>> -> memref<128x128xf32, #tpu.memory_space<vmem>>
      %dma_start3A_422 = arith.constant 0 : i32
      %dma_start3A_423 = tpu.memref_slice %arg5[%add3A_415, %dma_start3A_422] : memref<100x128xi32, #tpu.memory_space<vmem>> -> memref<1x128xi32, #tpu.memory_space<vmem>>
      %dma_start3A_424 = tpu.memref_squeeze %dma_start3A_423 : memref<1x128xi32, #tpu.memory_space<vmem>> -> memref<128xi32, #tpu.memory_space<vmem>>
      %dma_start3A_425 = arith.constant 0 : i32
      %dma_start3A_426 = arith.constant 0 : i32
      %dma_start3A_427 = tpu.memref_slice %arg7[%dma_start3A_425, %dma_start3A_426] : memref<1000x128xf32, #tpu.memory_space<vmem_shared>> -> memref<1000x128xf32, #tpu.memory_space<vmem_shared>>
      %dma_start3A_428 = tpu.memref_slice %arg8[%dma_start3A_417] : memref<4x!tpu.dma_semaphore, #tpu.memory_space<semaphore_mem>> -> memref<1x!tpu.dma_semaphore, #tpu.memory_space<semaphore_mem>>
      %dma_start3A_429 = tpu.memref_squeeze %dma_start3A_428 : memref<1x!tpu.dma_semaphore, #tpu.memory_space<semaphore_mem>> -> memref<!tpu.dma_semaphore, #tpu.memory_space<semaphore_mem>>
      tpu.enqueue_indirect_dma source(%dma_start3A_427 : memref<1000x128xf32, #tpu.memory_space<vmem_shared>>) target(%dma_start3A_421 : memref<128x128xf32, #tpu.memory_space<vmem>>) offsets(%dma_start3A_424 : memref<128xi32, #tpu.memory_space<vmem>>) semaphore(%dma_start3A_429 : memref<!tpu.dma_semaphore, #tpu.memory_space<semaphore_mem>>)
      %dma_wait3A_430 = arith.constant 3 : i32
      %dma_wait3A_431 = arith.constant 3 : i32
      %dma_wait3A_432 = arith.constant 0 : i32
      %dma_wait3A_433 = arith.constant 0 : i32
      %dma_wait3A_434 = tpu.memref_slice %arg6[%dma_wait3A_430, %dma_wait3A_432, %dma_wait3A_433] : memref<4x128x128xf32, #tpu.memory_space<vmem>> -> memref<1x128x128xf32, #tpu.memory_space<vmem>>
      %dma_wait3A_435 = tpu.memref_squeeze %dma_wait3A_434 : memref<1x128x128xf32, #tpu.memory_space<vmem>> -> memref<128x128xf32, #tpu.memory_space<vmem>>
      %dma_wait3A_436 = arith.constant 0 : i32
      %dma_wait3A_437 = arith.constant 0 : i32
      %dma_wait3A_438 = tpu.memref_slice %arg4[%dma_wait3A_436, %dma_wait3A_437] : memref<409600x128xf32, #tpu.memory_space<hbm>> -> memref<128x128xf32, #tpu.memory_space<hbm>>
      %dma_wait3A_439 = tpu.memref_slice %arg9[%dma_wait3A_431] : memref<4x!tpu.dma_semaphore, #tpu.memory_space<semaphore_mem>> -> memref<1x!tpu.dma_semaphore, #tpu.memory_space<semaphore_mem>>
      %dma_wait3A_440 = tpu.memref_squeeze %dma_wait3A_439 : memref<1x!tpu.dma_semaphore, #tpu.memory_space<semaphore_mem>> -> memref<!tpu.dma_semaphore, #tpu.memory_space<semaphore_mem>>
      %dma_wait3A_441 = arith.constant 0 : i32
      %dma_wait3A_442 = arith.constant 0 : i32
      %dma_wait3A_443 = tpu.memref_slice %arg4[%dma_wait3A_441, %dma_wait3A_442] : memref<409600x128xf32, #tpu.memory_space<hbm>> -> memref<128x128xf32, #tpu.memory_space<hbm>>
      %dma_wait3A_444 = arith.constant 0 : i32
      %dma_wait3A_445 = arith.constant 0 : i32
      %dma_wait3A_446 = tpu.memref_slice %arg6[%dma_wait3A_430, %dma_wait3A_444, %dma_wait3A_445] : memref<4x128x128xf32, #tpu.memory_space<vmem>> -> memref<1x128x128xf32, #tpu.memory_space<vmem>>
      %dma_wait3A_447 = tpu.memref_squeeze %dma_wait3A_446 : memref<1x128x128xf32, #tpu.memory_space<vmem>> -> memref<128x128xf32, #tpu.memory_space<vmem>>
      tpu.wait_dma2 semaphore(%dma_wait3A_440 : memref<!tpu.dma_semaphore, #tpu.memory_space<semaphore_mem>>) src(%dma_wait3A_447 : memref<128x128xf32, #tpu.memory_space<vmem>>) dst(%dma_wait3A_443 : memref<128x128xf32, #tpu.memory_space<hbm>>)
      %mul3A_448 = arith.constant 4 : i32
      %mul3A_449 = arith.muli %scan3A_151, %mul3A_448 : i32
      %add3A_450 = arith.constant 3 : i32
      %add3A_451 = arith.addi %mul3A_449, %add3A_450 : i32
      %add3A_452 = arith.constant 4 : i32
      %add3A_453 = arith.addi %add3A_451, %add3A_452 : i32
      %dma_start3A_454 = arith.constant 3 : i32
      %dma_start3A_455 = arith.constant 3 : i32
      %dma_start3A_456 = arith.constant 0 : i32
      %dma_start3A_457 = arith.constant 0 : i32
      %dma_start3A_458 = tpu.memref_slice %arg6[%dma_start3A_454, %dma_start3A_456, %dma_start3A_457] : memref<4x128x128xf32, #tpu.memory_space<vmem>> -> memref<1x128x128xf32, #tpu.memory_space<vmem>>
      %dma_start3A_459 = tpu.memref_squeeze %dma_start3A_458 : memref<1x128x128xf32, #tpu.memory_space<vmem>> -> memref<128x128xf32, #tpu.memory_space<vmem>>
      %dma_start3A_460 = arith.constant 0 : i32
      %dma_start3A_461 = tpu.memref_slice %arg5[%add3A_453, %dma_start3A_460] : memref<100x128xi32, #tpu.memory_space<vmem>> -> memref<1x128xi32, #tpu.memory_space<vmem>>
      %dma_start3A_462 = tpu.memref_squeeze %dma_start3A_461 : memref<1x128xi32, #tpu.memory_space<vmem>> -> memref<128xi32, #tpu.memory_space<vmem>>
      %dma_start3A_463 = arith.constant 0 : i32
      %dma_start3A_464 = arith.constant 0 : i32
      %dma_start3A_465 = tpu.memref_slice %arg7[%dma_start3A_463, %dma_start3A_464] : memref<1000x128xf32, #tpu.memory_space<vmem_shared>> -> memref<1000x128xf32, #tpu.memory_space<vmem_shared>>
      %dma_start3A_466 = tpu.memref_slice %arg8[%dma_start3A_455] : memref<4x!tpu.dma_semaphore, #tpu.memory_space<semaphore_mem>> -> memref<1x!tpu.dma_semaphore, #tpu.memory_space<semaphore_mem>>
      %dma_start3A_467 = tpu.memref_squeeze %dma_start3A_466 : memref<1x!tpu.dma_semaphore, #tpu.memory_space<semaphore_mem>> -> memref<!tpu.dma_semaphore, #tpu.memory_space<semaphore_mem>>
      tpu.enqueue_indirect_dma source(%dma_start3A_465 : memref<1000x128xf32, #tpu.memory_space<vmem_shared>>) target(%dma_start3A_459 : memref<128x128xf32, #tpu.memory_space<vmem>>) offsets(%dma_start3A_462 : memref<128xi32, #tpu.memory_space<vmem>>) semaphore(%dma_start3A_467 : memref<!tpu.dma_semaphore, #tpu.memory_space<semaphore_mem>>)
    }
    %scan3A_68 = arith.constant 24 : i32
    %dma_wait3A = arith.constant 0 : i32
    %dma_wait3A_69 = arith.constant 0 : i32
    %dma_wait3A_70 = arith.constant 0 : i32
    %dma_wait3A_71 = arith.constant 0 : i32
    %dma_wait3A_72 = tpu.memref_slice %arg6[%dma_wait3A, %dma_wait3A_70, %dma_wait3A_71] : memref<4x128x128xf32, #tpu.memory_space<vmem>> -> memref<1x128x128xf32, #tpu.memory_space<vmem>>
    %dma_wait3A_73 = tpu.memref_squeeze %dma_wait3A_72 : memref<1x128x128xf32, #tpu.memory_space<vmem>> -> memref<128x128xf32, #tpu.memory_space<vmem>>
    %dma_wait3A_74 = arith.constant 0 : i32
    %dma_wait3A_75 = arith.constant 0 : i32
    %dma_wait3A_76 = tpu.memref_slice %arg7[%dma_wait3A_74, %dma_wait3A_75] : memref<1000x128xf32, #tpu.memory_space<vmem_shared>> -> memref<128x128xf32, #tpu.memory_space<vmem_shared>>
    %dma_wait3A_77 = tpu.memref_slice %arg8[%dma_wait3A_69] : memref<4x!tpu.dma_semaphore, #tpu.memory_space<semaphore_mem>> -> memref<1x!tpu.dma_semaphore, #tpu.memory_space<semaphore_mem>>
    %dma_wait3A_78 = tpu.memref_squeeze %dma_wait3A_77 : memref<1x!tpu.dma_semaphore, #tpu.memory_space<semaphore_mem>> -> memref<!tpu.dma_semaphore, #tpu.memory_space<semaphore_mem>>
    %dma_wait3A_79 = arith.constant 0 : i32
    %dma_wait3A_80 = arith.constant 0 : i32
    %dma_wait3A_81 = tpu.memref_slice %arg6[%dma_wait3A, %dma_wait3A_79, %dma_wait3A_80] : memref<4x128x128xf32, #tpu.memory_space<vmem>> -> memref<1x128x128xf32, #tpu.memory_space<vmem>>
    %dma_wait3A_82 = tpu.memref_squeeze %dma_wait3A_81 : memref<1x128x128xf32, #tpu.memory_space<vmem>> -> memref<128x128xf32, #tpu.memory_space<vmem>>
    %dma_wait3A_83 = arith.constant 0 : i32
    %dma_wait3A_84 = arith.constant 0 : i32
    %dma_wait3A_85 = tpu.memref_slice %arg7[%dma_wait3A_83, %dma_wait3A_84] : memref<1000x128xf32, #tpu.memory_space<vmem_shared>> -> memref<128x128xf32, #tpu.memory_space<vmem_shared>>
    tpu.wait_dma2 semaphore(%dma_wait3A_78 : memref<!tpu.dma_semaphore, #tpu.memory_space<semaphore_mem>>) src(%dma_wait3A_85 : memref<128x128xf32, #tpu.memory_space<vmem_shared>>) dst(%dma_wait3A_82 : memref<128x128xf32, #tpu.memory_space<vmem>>)
    %add3A_86 = arith.constant 393216 : i32
    %add3A_87 = arith.addi %add3A_86, %mul3A_2 : i32
    %run_scoped3A = arith.constant 0 : i32
    "tpu.region"() ({
      %run_scoped3A_151 = tpu.sem_alloc : memref<!tpu.dma_semaphore, #tpu.memory_space<semaphore_mem>>
      %dma_start3A_152 = arith.constant 0 : i32
      %dma_start3A_153 = arith.constant 0 : i32
      %dma_start3A_154 = tpu.memref_slice %arg6[%run_scoped3A, %dma_start3A_152, %dma_start3A_153] : memref<4x128x128xf32, #tpu.memory_space<vmem>> -> memref<1x128x128xf32, #tpu.memory_space<vmem>>
      %dma_start3A_155 = tpu.memref_squeeze %dma_start3A_154 : memref<1x128x128xf32, #tpu.memory_space<vmem>> -> memref<128x128xf32, #tpu.memory_space<vmem>>
      %dma_start3A_156 = arith.constant 0 : i32
      %dma_start3A_157 = tpu.memref_slice %arg4[%add3A_87, %dma_start3A_156] : memref<409600x128xf32, #tpu.memory_space<hbm>> -> memref<128x128xf32, #tpu.memory_space<hbm>>
      %dma_start3A_158 = arith.constant 0 : i32
      %dma_start3A_159 = tpu.memref_slice %arg4[%add3A_87, %dma_start3A_158] : memref<409600x128xf32, #tpu.memory_space<hbm>> -> memref<128x128xf32, #tpu.memory_space<hbm>>
      %dma_start3A_160 = arith.constant 0 : i32
      %dma_start3A_161 = arith.constant 0 : i32
      %dma_start3A_162 = tpu.memref_slice %arg6[%run_scoped3A, %dma_start3A_160, %dma_start3A_161] : memref<4x128x128xf32, #tpu.memory_space<vmem>> -> memref<1x128x128xf32, #tpu.memory_space<vmem>>
      %dma_start3A_163 = tpu.memref_squeeze %dma_start3A_162 : memref<1x128x128xf32, #tpu.memory_space<vmem>> -> memref<128x128xf32, #tpu.memory_space<vmem>>
      tpu.enqueue_dma source(%dma_start3A_163 : memref<128x128xf32, #tpu.memory_space<vmem>>) target(%dma_start3A_159 : memref<128x128xf32, #tpu.memory_space<hbm>>) target_semaphore(%run_scoped3A_151 : memref<!tpu.dma_semaphore, #tpu.memory_space<semaphore_mem>>)
      %dma_wait3A_164 = arith.constant 0 : i32
      %dma_wait3A_165 = arith.constant 0 : i32
      %dma_wait3A_166 = tpu.memref_slice %arg6[%run_scoped3A, %dma_wait3A_164, %dma_wait3A_165] : memref<4x128x128xf32, #tpu.memory_space<vmem>> -> memref<1x128x128xf32, #tpu.memory_space<vmem>>
      %dma_wait3A_167 = tpu.memref_squeeze %dma_wait3A_166 : memref<1x128x128xf32, #tpu.memory_space<vmem>> -> memref<128x128xf32, #tpu.memory_space<vmem>>
      %dma_wait3A_168 = arith.constant 0 : i32
      %dma_wait3A_169 = tpu.memref_slice %arg4[%add3A_87, %dma_wait3A_168] : memref<409600x128xf32, #tpu.memory_space<hbm>> -> memref<128x128xf32, #tpu.memory_space<hbm>>
      %dma_wait3A_170 = arith.constant 0 : i32
      %dma_wait3A_171 = tpu.memref_slice %arg4[%add3A_87, %dma_wait3A_170] : memref<409600x128xf32, #tpu.memory_space<hbm>> -> memref<128x128xf32, #tpu.memory_space<hbm>>
      %dma_wait3A_172 = arith.constant 0 : i32
      %dma_wait3A_173 = arith.constant 0 : i32
      %dma_wait3A_174 = tpu.memref_slice %arg6[%run_scoped3A, %dma_wait3A_172, %dma_wait3A_173] : memref<4x128x128xf32, #tpu.memory_space<vmem>> -> memref<1x128x128xf32, #tpu.memory_space<vmem>>
      %dma_wait3A_175 = tpu.memref_squeeze %dma_wait3A_174 : memref<1x128x128xf32, #tpu.memory_space<vmem>> -> memref<128x128xf32, #tpu.memory_space<vmem>>
      tpu.wait_dma2 semaphore(%run_scoped3A_151 : memref<!tpu.dma_semaphore, #tpu.memory_space<semaphore_mem>>) src(%dma_wait3A_175 : memref<128x128xf32, #tpu.memory_space<vmem>>) dst(%dma_wait3A_171 : memref<128x128xf32, #tpu.memory_space<hbm>>)
      tpu.yield
    }) : () -> ()
    %dma_wait3A_88 = arith.constant 1 : i32
    %dma_wait3A_89 = arith.constant 1 : i32
    %dma_wait3A_90 = arith.constant 0 : i32
    %dma_wait3A_91 = arith.constant 0 : i32
    %dma_wait3A_92 = tpu.memref_slice %arg6[%dma_wait3A_88, %dma_wait3A_90, %dma_wait3A_91] : memref<4x128x128xf32, #tpu.memory_space<vmem>> -> memref<1x128x128xf32, #tpu.memory_space<vmem>>
    %dma_wait3A_93 = tpu.memref_squeeze %dma_wait3A_92 : memref<1x128x128xf32, #tpu.memory_space<vmem>> -> memref<128x128xf32, #tpu.memory_space<vmem>>
    %dma_wait3A_94 = arith.constant 0 : i32
    %dma_wait3A_95 = arith.constant 0 : i32
    %dma_wait3A_96 = tpu.memref_slice %arg7[%dma_wait3A_94, %dma_wait3A_95] : memref<1000x128xf32, #tpu.memory_space<vmem_shared>> -> memref<128x128xf32, #tpu.memory_space<vmem_shared>>
    %dma_wait3A_97 = tpu.memref_slice %arg8[%dma_wait3A_89] : memref<4x!tpu.dma_semaphore, #tpu.memory_space<semaphore_mem>> -> memref<1x!tpu.dma_semaphore, #tpu.memory_space<semaphore_mem>>
    %dma_wait3A_98 = tpu.memref_squeeze %dma_wait3A_97 : memref<1x!tpu.dma_semaphore, #tpu.memory_space<semaphore_mem>> -> memref<!tpu.dma_semaphore, #tpu.memory_space<semaphore_mem>>
    %dma_wait3A_99 = arith.constant 0 : i32
    %dma_wait3A_100 = arith.constant 0 : i32
    %dma_wait3A_101 = tpu.memref_slice %arg6[%dma_wait3A_88, %dma_wait3A_99, %dma_wait3A_100] : memref<4x128x128xf32, #tpu.memory_space<vmem>> -> memref<1x128x128xf32, #tpu.memory_space<vmem>>
    %dma_wait3A_102 = tpu.memref_squeeze %dma_wait3A_101 : memref<1x128x128xf32, #tpu.memory_space<vmem>> -> memref<128x128xf32, #tpu.memory_space<vmem>>
    %dma_wait3A_103 = arith.constant 0 : i32
    %dma_wait3A_104 = arith.constant 0 : i32
    %dma_wait3A_105 = tpu.memref_slice %arg7[%dma_wait3A_103, %dma_wait3A_104] : memref<1000x128xf32, #tpu.memory_space<vmem_shared>> -> memref<128x128xf32, #tpu.memory_space<vmem_shared>>
    tpu.wait_dma2 semaphore(%dma_wait3A_98 : memref<!tpu.dma_semaphore, #tpu.memory_space<semaphore_mem>>) src(%dma_wait3A_105 : memref<128x128xf32, #tpu.memory_space<vmem_shared>>) dst(%dma_wait3A_102 : memref<128x128xf32, #tpu.memory_space<vmem>>)
    %add3A_106 = arith.constant 397312 : i32
    %add3A_107 = arith.addi %add3A_106, %mul3A_2 : i32
    %run_scoped3A_108 = arith.constant 1 : i32
    "tpu.region"() ({
      %run_scoped3A_151 = tpu.sem_alloc : memref<!tpu.dma_semaphore, #tpu.memory_space<semaphore_mem>>
      %dma_start3A_152 = arith.constant 0 : i32
      %dma_start3A_153 = arith.constant 0 : i32
      %dma_start3A_154 = tpu.memref_slice %arg6[%run_scoped3A_108, %dma_start3A_152, %dma_start3A_153] : memref<4x128x128xf32, #tpu.memory_space<vmem>> -> memref<1x128x128xf32, #tpu.memory_space<vmem>>
      %dma_start3A_155 = tpu.memref_squeeze %dma_start3A_154 : memref<1x128x128xf32, #tpu.memory_space<vmem>> -> memref<128x128xf32, #tpu.memory_space<vmem>>
      %dma_start3A_156 = arith.constant 0 : i32
      %dma_start3A_157 = tpu.memref_slice %arg4[%add3A_107, %dma_start3A_156] : memref<409600x128xf32, #tpu.memory_space<hbm>> -> memref<128x128xf32, #tpu.memory_space<hbm>>
      %dma_start3A_158 = arith.constant 0 : i32
      %dma_start3A_159 = tpu.memref_slice %arg4[%add3A_107, %dma_start3A_158] : memref<409600x128xf32, #tpu.memory_space<hbm>> -> memref<128x128xf32, #tpu.memory_space<hbm>>
      %dma_start3A_160 = arith.constant 0 : i32
      %dma_start3A_161 = arith.constant 0 : i32
      %dma_start3A_162 = tpu.memref_slice %arg6[%run_scoped3A_108, %dma_start3A_160, %dma_start3A_161] : memref<4x128x128xf32, #tpu.memory_space<vmem>> -> memref<1x128x128xf32, #tpu.memory_space<vmem>>
      %dma_start3A_163 = tpu.memref_squeeze %dma_start3A_162 : memref<1x128x128xf32, #tpu.memory_space<vmem>> -> memref<128x128xf32, #tpu.memory_space<vmem>>
      tpu.enqueue_dma source(%dma_start3A_163 : memref<128x128xf32, #tpu.memory_space<vmem>>) target(%dma_start3A_159 : memref<128x128xf32, #tpu.memory_space<hbm>>) target_semaphore(%run_scoped3A_151 : memref<!tpu.dma_semaphore, #tpu.memory_space<semaphore_mem>>)
      %dma_wait3A_164 = arith.constant 0 : i32
      %dma_wait3A_165 = arith.constant 0 : i32
      %dma_wait3A_166 = tpu.memref_slice %arg6[%run_scoped3A_108, %dma_wait3A_164, %dma_wait3A_165] : memref<4x128x128xf32, #tpu.memory_space<vmem>> -> memref<1x128x128xf32, #tpu.memory_space<vmem>>
      %dma_wait3A_167 = tpu.memref_squeeze %dma_wait3A_166 : memref<1x128x128xf32, #tpu.memory_space<vmem>> -> memref<128x128xf32, #tpu.memory_space<vmem>>
      %dma_wait3A_168 = arith.constant 0 : i32
      %dma_wait3A_169 = tpu.memref_slice %arg4[%add3A_107, %dma_wait3A_168] : memref<409600x128xf32, #tpu.memory_space<hbm>> -> memref<128x128xf32, #tpu.memory_space<hbm>>
      %dma_wait3A_170 = arith.constant 0 : i32
      %dma_wait3A_171 = tpu.memref_slice %arg4[%add3A_107, %dma_wait3A_170] : memref<409600x128xf32, #tpu.memory_space<hbm>> -> memref<128x128xf32, #tpu.memory_space<hbm>>
      %dma_wait3A_172 = arith.constant 0 : i32
      %dma_wait3A_173 = arith.constant 0 : i32
      %dma_wait3A_174 = tpu.memref_slice %arg6[%run_scoped3A_108, %dma_wait3A_172, %dma_wait3A_173] : memref<4x128x128xf32, #tpu.memory_space<vmem>> -> memref<1x128x128xf32, #tpu.memory_space<vmem>>
      %dma_wait3A_175 = tpu.memref_squeeze %dma_wait3A_174 : memref<1x128x128xf32, #tpu.memory_space<vmem>> -> memref<128x128xf32, #tpu.memory_space<vmem>>
      tpu.wait_dma2 semaphore(%run_scoped3A_151 : memref<!tpu.dma_semaphore, #tpu.memory_space<semaphore_mem>>) src(%dma_wait3A_175 : memref<128x128xf32, #tpu.memory_space<vmem>>) dst(%dma_wait3A_171 : memref<128x128xf32, #tpu.memory_space<hbm>>)
      tpu.yield
    }) : () -> ()
    %dma_wait3A_109 = arith.constant 2 : i32
    %dma_wait3A_110 = arith.constant 2 : i32
    %dma_wait3A_111 = arith.constant 0 : i32
    %dma_wait3A_112 = arith.constant 0 : i32
    %dma_wait3A_113 = tpu.memref_slice %arg6[%dma_wait3A_109, %dma_wait3A_111, %dma_wait3A_112] : memref<4x128x128xf32, #tpu.memory_space<vmem>> -> memref<1x128x128xf32, #tpu.memory_space<vmem>>
    %dma_wait3A_114 = tpu.memref_squeeze %dma_wait3A_113 : memref<1x128x128xf32, #tpu.memory_space<vmem>> -> memref<128x128xf32, #tpu.memory_space<vmem>>
    %dma_wait3A_115 = arith.constant 0 : i32
    %dma_wait3A_116 = arith.constant 0 : i32
    %dma_wait3A_117 = tpu.memref_slice %arg7[%dma_wait3A_115, %dma_wait3A_116] : memref<1000x128xf32, #tpu.memory_space<vmem_shared>> -> memref<128x128xf32, #tpu.memory_space<vmem_shared>>
    %dma_wait3A_118 = tpu.memref_slice %arg8[%dma_wait3A_110] : memref<4x!tpu.dma_semaphore, #tpu.memory_space<semaphore_mem>> -> memref<1x!tpu.dma_semaphore, #tpu.memory_space<semaphore_mem>>
    %dma_wait3A_119 = tpu.memref_squeeze %dma_wait3A_118 : memref<1x!tpu.dma_semaphore, #tpu.memory_space<semaphore_mem>> -> memref<!tpu.dma_semaphore, #tpu.memory_space<semaphore_mem>>
    %dma_wait3A_120 = arith.constant 0 : i32
    %dma_wait3A_121 = arith.constant 0 : i32
    %dma_wait3A_122 = tpu.memref_slice %arg6[%dma_wait3A_109, %dma_wait3A_120, %dma_wait3A_121] : memref<4x128x128xf32, #tpu.memory_space<vmem>> -> memref<1x128x128xf32, #tpu.memory_space<vmem>>
    %dma_wait3A_123 = tpu.memref_squeeze %dma_wait3A_122 : memref<1x128x128xf32, #tpu.memory_space<vmem>> -> memref<128x128xf32, #tpu.memory_space<vmem>>
    %dma_wait3A_124 = arith.constant 0 : i32
    %dma_wait3A_125 = arith.constant 0 : i32
    %dma_wait3A_126 = tpu.memref_slice %arg7[%dma_wait3A_124, %dma_wait3A_125] : memref<1000x128xf32, #tpu.memory_space<vmem_shared>> -> memref<128x128xf32, #tpu.memory_space<vmem_shared>>
    tpu.wait_dma2 semaphore(%dma_wait3A_119 : memref<!tpu.dma_semaphore, #tpu.memory_space<semaphore_mem>>) src(%dma_wait3A_126 : memref<128x128xf32, #tpu.memory_space<vmem_shared>>) dst(%dma_wait3A_123 : memref<128x128xf32, #tpu.memory_space<vmem>>)
    %add3A_127 = arith.constant 401408 : i32
    %add3A_128 = arith.addi %add3A_127, %mul3A_2 : i32
    %run_scoped3A_129 = arith.constant 2 : i32
    "tpu.region"() ({
      %run_scoped3A_151 = tpu.sem_alloc : memref<!tpu.dma_semaphore, #tpu.memory_space<semaphore_mem>>
      %dma_start3A_152 = arith.constant 0 : i32
      %dma_start3A_153 = arith.constant 0 : i32
      %dma_start3A_154 = tpu.memref_slice %arg6[%run_scoped3A_129, %dma_start3A_152, %dma_start3A_153] : memref<4x128x128xf32, #tpu.memory_space<vmem>> -> memref<1x128x128xf32, #tpu.memory_space<vmem>>
      %dma_start3A_155 = tpu.memref_squeeze %dma_start3A_154 : memref<1x128x128xf32, #tpu.memory_space<vmem>> -> memref<128x128xf32, #tpu.memory_space<vmem>>
      %dma_start3A_156 = arith.constant 0 : i32
      %dma_start3A_157 = tpu.memref_slice %arg4[%add3A_128, %dma_start3A_156] : memref<409600x128xf32, #tpu.memory_space<hbm>> -> memref<128x128xf32, #tpu.memory_space<hbm>>
      %dma_start3A_158 = arith.constant 0 : i32
      %dma_start3A_159 = tpu.memref_slice %arg4[%add3A_128, %dma_start3A_158] : memref<409600x128xf32, #tpu.memory_space<hbm>> -> memref<128x128xf32, #tpu.memory_space<hbm>>
      %dma_start3A_160 = arith.constant 0 : i32
      %dma_start3A_161 = arith.constant 0 : i32
      %dma_start3A_162 = tpu.memref_slice %arg6[%run_scoped3A_129, %dma_start3A_160, %dma_start3A_161] : memref<4x128x128xf32, #tpu.memory_space<vmem>> -> memref<1x128x128xf32, #tpu.memory_space<vmem>>
      %dma_start3A_163 = tpu.memref_squeeze %dma_start3A_162 : memref<1x128x128xf32, #tpu.memory_space<vmem>> -> memref<128x128xf32, #tpu.memory_space<vmem>>
      tpu.enqueue_dma source(%dma_start3A_163 : memref<128x128xf32, #tpu.memory_space<vmem>>) target(%dma_start3A_159 : memref<128x128xf32, #tpu.memory_space<hbm>>) target_semaphore(%run_scoped3A_151 : memref<!tpu.dma_semaphore, #tpu.memory_space<semaphore_mem>>)
      %dma_wait3A_164 = arith.constant 0 : i32
      %dma_wait3A_165 = arith.constant 0 : i32
      %dma_wait3A_166 = tpu.memref_slice %arg6[%run_scoped3A_129, %dma_wait3A_164, %dma_wait3A_165] : memref<4x128x128xf32, #tpu.memory_space<vmem>> -> memref<1x128x128xf32, #tpu.memory_space<vmem>>
      %dma_wait3A_167 = tpu.memref_squeeze %dma_wait3A_166 : memref<1x128x128xf32, #tpu.memory_space<vmem>> -> memref<128x128xf32, #tpu.memory_space<vmem>>
      %dma_wait3A_168 = arith.constant 0 : i32
      %dma_wait3A_169 = tpu.memref_slice %arg4[%add3A_128, %dma_wait3A_168] : memref<409600x128xf32, #tpu.memory_space<hbm>> -> memref<128x128xf32, #tpu.memory_space<hbm>>
      %dma_wait3A_170 = arith.constant 0 : i32
      %dma_wait3A_171 = tpu.memref_slice %arg4[%add3A_128, %dma_wait3A_170] : memref<409600x128xf32, #tpu.memory_space<hbm>> -> memref<128x128xf32, #tpu.memory_space<hbm>>
      %dma_wait3A_172 = arith.constant 0 : i32
      %dma_wait3A_173 = arith.constant 0 : i32
      %dma_wait3A_174 = tpu.memref_slice %arg6[%run_scoped3A_129, %dma_wait3A_172, %dma_wait3A_173] : memref<4x128x128xf32, #tpu.memory_space<vmem>> -> memref<1x128x128xf32, #tpu.memory_space<vmem>>
      %dma_wait3A_175 = tpu.memref_squeeze %dma_wait3A_174 : memref<1x128x128xf32, #tpu.memory_space<vmem>> -> memref<128x128xf32, #tpu.memory_space<vmem>>
      tpu.wait_dma2 semaphore(%run_scoped3A_151 : memref<!tpu.dma_semaphore, #tpu.memory_space<semaphore_mem>>) src(%dma_wait3A_175 : memref<128x128xf32, #tpu.memory_space<vmem>>) dst(%dma_wait3A_171 : memref<128x128xf32, #tpu.memory_space<hbm>>)
      tpu.yield
    }) : () -> ()
    %dma_wait3A_130 = arith.constant 3 : i32
    %dma_wait3A_131 = arith.constant 3 : i32
    %dma_wait3A_132 = arith.constant 0 : i32
    %dma_wait3A_133 = arith.constant 0 : i32
    %dma_wait3A_134 = tpu.memref_slice %arg6[%dma_wait3A_130, %dma_wait3A_132, %dma_wait3A_133] : memref<4x128x128xf32, #tpu.memory_space<vmem>> -> memref<1x128x128xf32, #tpu.memory_space<vmem>>
    %dma_wait3A_135 = tpu.memref_squeeze %dma_wait3A_134 : memref<1x128x128xf32, #tpu.memory_space<vmem>> -> memref<128x128xf32, #tpu.memory_space<vmem>>
    %dma_wait3A_136 = arith.constant 0 : i32
    %dma_wait3A_137 = arith.constant 0 : i32
    %dma_wait3A_138 = tpu.memref_slice %arg7[%dma_wait3A_136, %dma_wait3A_137] : memref<1000x128xf32, #tpu.memory_space<vmem_shared>> -> memref<128x128xf32, #tpu.memory_space<vmem_shared>>
    %dma_wait3A_139 = tpu.memref_slice %arg8[%dma_wait3A_131] : memref<4x!tpu.dma_semaphore, #tpu.memory_space<semaphore_mem>> -> memref<1x!tpu.dma_semaphore, #tpu.memory_space<semaphore_mem>>
    %dma_wait3A_140 = tpu.memref_squeeze %dma_wait3A_139 : memref<1x!tpu.dma_semaphore, #tpu.memory_space<semaphore_mem>> -> memref<!tpu.dma_semaphore, #tpu.memory_space<semaphore_mem>>
    %dma_wait3A_141 = arith.constant 0 : i32
    %dma_wait3A_142 = arith.constant 0 : i32
    %dma_wait3A_143 = tpu.memref_slice %arg6[%dma_wait3A_130, %dma_wait3A_141, %dma_wait3A_142] : memref<4x128x128xf32, #tpu.memory_space<vmem>> -> memref<1x128x128xf32, #tpu.memory_space<vmem>>
    %dma_wait3A_144 = tpu.memref_squeeze %dma_wait3A_143 : memref<1x128x128xf32, #tpu.memory_space<vmem>> -> memref<128x128xf32, #tpu.memory_space<vmem>>
    %dma_wait3A_145 = arith.constant 0 : i32
    %dma_wait3A_146 = arith.constant 0 : i32
    %dma_wait3A_147 = tpu.memref_slice %arg7[%dma_wait3A_145, %dma_wait3A_146] : memref<1000x128xf32, #tpu.memory_space<vmem_shared>> -> memref<128x128xf32, #tpu.memory_space<vmem_shared>>
    tpu.wait_dma2 semaphore(%dma_wait3A_140 : memref<!tpu.dma_semaphore, #tpu.memory_space<semaphore_mem>>) src(%dma_wait3A_147 : memref<128x128xf32, #tpu.memory_space<vmem_shared>>) dst(%dma_wait3A_144 : memref<128x128xf32, #tpu.memory_space<vmem>>)
    %add3A_148 = arith.constant 405504 : i32
    %add3A_149 = arith.addi %add3A_148, %mul3A_2 : i32
    %run_scoped3A_150 = arith.constant 3 : i32
    "tpu.region"() ({
      %run_scoped3A_151 = tpu.sem_alloc : memref<!tpu.dma_semaphore, #tpu.memory_space<semaphore_mem>>
      %dma_start3A_152 = arith.constant 0 : i32
      %dma_start3A_153 = arith.constant 0 : i32
      %dma_start3A_154 = tpu.memref_slice %arg6[%run_scoped3A_150, %dma_start3A_152, %dma_start3A_153] : memref<4x128x128xf32, #tpu.memory_space<vmem>> -> memref<1x128x128xf32, #tpu.memory_space<vmem>>
      %dma_start3A_155 = tpu.memref_squeeze %dma_start3A_154 : memref<1x128x128xf32, #tpu.memory_space<vmem>> -> memref<128x128xf32, #tpu.memory_space<vmem>>
      %dma_start3A_156 = arith.constant 0 : i32
      %dma_start3A_157 = tpu.memref_slice %arg4[%add3A_149, %dma_start3A_156] : memref<409600x128xf32, #tpu.memory_space<hbm>> -> memref<128x128xf32, #tpu.memory_space<hbm>>
      %dma_start3A_158 = arith.constant 0 : i32
      %dma_start3A_159 = tpu.memref_slice %arg4[%add3A_149, %dma_start3A_158] : memref<409600x128xf32, #tpu.memory_space<hbm>> -> memref<128x128xf32, #tpu.memory_space<hbm>>
      %dma_start3A_160 = arith.constant 0 : i32
      %dma_start3A_161 = arith.constant 0 : i32
      %dma_start3A_162 = tpu.memref_slice %arg6[%run_scoped3A_150, %dma_start3A_160, %dma_start3A_161] : memref<4x128x128xf32, #tpu.memory_space<vmem>> -> memref<1x128x128xf32, #tpu.memory_space<vmem>>
      %dma_start3A_163 = tpu.memref_squeeze %dma_start3A_162 : memref<1x128x128xf32, #tpu.memory_space<vmem>> -> memref<128x128xf32, #tpu.memory_space<vmem>>
      tpu.enqueue_dma source(%dma_start3A_163 : memref<128x128xf32, #tpu.memory_space<vmem>>) target(%dma_start3A_159 : memref<128x128xf32, #tpu.memory_space<hbm>>) target_semaphore(%run_scoped3A_151 : memref<!tpu.dma_semaphore, #tpu.memory_space<semaphore_mem>>)
      %dma_wait3A_164 = arith.constant 0 : i32
      %dma_wait3A_165 = arith.constant 0 : i32
      %dma_wait3A_166 = tpu.memref_slice %arg6[%run_scoped3A_150, %dma_wait3A_164, %dma_wait3A_165] : memref<4x128x128xf32, #tpu.memory_space<vmem>> -> memref<1x128x128xf32, #tpu.memory_space<vmem>>
      %dma_wait3A_167 = tpu.memref_squeeze %dma_wait3A_166 : memref<1x128x128xf32, #tpu.memory_space<vmem>> -> memref<128x128xf32, #tpu.memory_space<vmem>>
      %dma_wait3A_168 = arith.constant 0 : i32
      %dma_wait3A_169 = tpu.memref_slice %arg4[%add3A_149, %dma_wait3A_168] : memref<409600x128xf32, #tpu.memory_space<hbm>> -> memref<128x128xf32, #tpu.memory_space<hbm>>
      %dma_wait3A_170 = arith.constant 0 : i32
      %dma_wait3A_171 = tpu.memref_slice %arg4[%add3A_149, %dma_wait3A_170] : memref<409600x128xf32, #tpu.memory_space<hbm>> -> memref<128x128xf32, #tpu.memory_space<hbm>>
      %dma_wait3A_172 = arith.constant 0 : i32
      %dma_wait3A_173 = arith.constant 0 : i32
      %dma_wait3A_174 = tpu.memref_slice %arg6[%run_scoped3A_150, %dma_wait3A_172, %dma_wait3A_173] : memref<4x128x128xf32, #tpu.memory_space<vmem>> -> memref<1x128x128xf32, #tpu.memory_space<vmem>>
      %dma_wait3A_175 = tpu.memref_squeeze %dma_wait3A_174 : memref<1x128x128xf32, #tpu.memory_space<vmem>> -> memref<128x128xf32, #tpu.memory_space<vmem>>
      tpu.wait_dma2 semaphore(%run_scoped3A_151 : memref<!tpu.dma_semaphore, #tpu.memory_space<semaphore_mem>>) src(%dma_wait3A_175 : memref<128x128xf32, #tpu.memory_space<vmem>>) dst(%dma_wait3A_171 : memref<128x128xf32, #tpu.memory_space<hbm>>)
      tpu.yield
    }) : () -> ()
    return
  }
}

</mosaic_0001>

<sc_bundles>
// kernel: kernel.3.cloned.1.call-start
scs
__scs_entry_jumppad:
0x0: {  	(pc) =	sbr.rel $0x88, $3  }
0x1: {  	(tag) =	ssettag $0x0;
	lr =	simm.s32 $0x1  }
0x2: {  	[smem:$0x3F9F] =	sst lr;
	_ =	strace $0xD0000000  }
0x3: {  	_ = 	snop  }
0x4: {  	_ = 	snop  }
0x5: {  	_ = 	snop  }
0x6: {  	_ = 	snop  }
0x7: {  	_ = 	snop  }
__scs_overlays_trampoline_lowered:
0x8: {  	[smem:$0x3FAE] =	sst s0  }
0x9: {  	[smem:$0x3FAF] =	sst s1  }
0xa: {  	[smem:$0x3FB0] =	sst s2  }
0xb: {  	[smem:$0x3FB1] =	sst s3  }
0xc: {  	[smem:$0x3FB2] =	sst s4  }
0xd: {  	[smem:$0x3FB3] =	sst s5  }
0xe: {  	[smem:$0x3FB4] =	sst s6  }
0xf: {  	[smem:$0x3FB5] =	sst s7  }
0x10: {  	[smem:$0x3FB6] =	sst s8  }
0x11: {  	[smem:$0x3FB7] =	sst s9;
	s0 =	simm.s32 @!p0 $0x0  }
0x12: {  	s1 =	sld [smem:$0x3F9D];
	s0 =	simm.s32 @p0 $0x1  }
0x13: {  	[smem:$0x3FB8] =	sst s0;
	s0 =	simm.s32 @!p1 $0x0  }
0x14: {  	s2 =	sld [smem:$0x3F9C];
	s0 =	simm.s32 @p1 $0x1  }
0x15: {  	[smem:$0x3FB9] =	sst s0;
	s0 =	simm.s32 @!p2 $0x0  }
0x16: {  	s3 =	sld [smem:$0x3FDB];
	s0 =	simm.s32 @p2 $0x1  }
0x17: {  	s4 =	simm.s32 $0x1BF5;
	[smem:$0x3FBB] =	sst s0  }
0x18: {  	s0 =	sld [smem:$0x3F9E];
	_ =	swait.ge [sflag:s4], $0x0  }
0x19: {  	s7 =	sld [smem:$0x3F9F]  }
0x1a: {  	s8 =	sadd.s32 $0xFFFFE003, lr  }
0x1b: {  	s9 =	sadd.s32 $0xFFFFFEF7, lr;
	s5 =	simm.s32 $0xFFFFFFFF;
	p2 =	slt.u32 s8, $0xFFFFF086  }
0x1c: {  	p1 =	slt.u32 s9, $0xF7A;
	s5 =	simm.s32 @!p2 $0x0  }
0x1d: {  	s5 =	simm.s32 @p1 $0x1;
	p0 =	seq.s32 s7, s2  }
0x1e: {  	s7 =	smul.u32 @!p0 $0xF7A, s2;
	p2 =	seq.s32 @!p0 s5, $0x0  }
0x1f: {  	s9 =	smul.u32 $0xF7A, s1;
	s8 =	simm.s32 @!p0 $0x1BF5;
	p2 =	por !p2, p0  }
0x20: {  	[sflag:s8] =	ssyncset.s32 @!p0 $0xFFFFF086;
	s6 =	sadd.s32 @!p0 s3, s7;
	s7 =	simm.s32 @!p0 $0x108  }
0x21: {  	s3 =	sadd.s32 s3, s9;
	s6 =	sadd.s32 @!p0 $0x88, s6;
	s7 =	simm.s32 @p2 $0x1082  }
0x22: {  	[simem:s7], [sflag:s8] =	dma.local @!p0 [hbm:s6], $0xF7A  }
0x23: {  	s9 =	sor.u32 $0xD0000000, s2;
	s6 =	simm.s32 $0x108;
	_ =	swait.ge @!p0 [sflag:s8], $0x0  }
0x24: {  	s3 =	sadd.s32 $0x88, s3;
	s6 =	simm.s32 @!p1 $0x1082;
	[sflag:s4] =	ssyncset.s32 $0xFFFFF086  }
0x25: {  	[simem:s6], [sflag:s4] =	dma.local [hbm:s3], $0xF7A  }
0x26: {  	[smem:$0x3F9F] =	sst s1;
	(tag) =	ssettag s2;
	_ =	strace s9  }
0x27: {  	s1 =	sld [smem:$0x3FAF]  }
0x28: {  	s2 =	sld [smem:$0x3FB0]  }
0x29: {  	s4 =	sld [smem:$0x3FB2]  }
0x2a: {  	p0 =	seq.s32 s5, $0x0;
	s5 =	sld [smem:$0x3FB3]  }
0x2b: {  	s6 =	sld [smem:$0x3FB4]  }
0x2c: {  	s7 =	sld [smem:$0x3FB5]  }
0x2d: {  	s3 =	simm.s32 $0x108;
	s8 =	sld [smem:$0x3FB6]  }
0x2e: {  	s3 =	simm.s32 @!p0 $0x1082;
	s9 =	sld [smem:$0x3FB7]  }
0x2f: {  	lr =	sadd.s32 s0, s3;
	s0 =	sld [smem:$0x3FAE]  }
0x30: {  	s3 =	sld [smem:$0x3FB1]  }
0x31: {  	[smem:$0x3FBA] =	sst s10  }
0x32: {  	s10 =	sld [smem:$0x3FB8];
	_ =	sdelay $0x3  }
0x33: {  	p0 =	seq.s32 s10, $0x1;
	s10 =	sld [smem:$0x3FBA];
	_ =	sdelay $0x3  }
0x34: {  	[smem:$0x3FBA] =	sst s10  }
0x35: {  	s10 =	sld [smem:$0x3FB9];
	_ =	sdelay $0x3  }
0x36: {  	p1 =	seq.s32 s10, $0x1;
	s10 =	sld [smem:$0x3FBA];
	_ =	sdelay $0x3  }
0x37: {  	[smem:$0x3FBA] =	sst s10  }
0x38: {  	s10 =	sld [smem:$0x3FBB]  }
0x39: {  	_ = 	snop;
	(pc) =	sbr.ind lr, $3  }
0x3a: {  	_ = 	snop  }
0x3b: {  	_ = 	snop  }
0x3c: {  	p2 =	seq.s32 s10, $0x1;
	s10 =	sld [smem:$0x3FBA]  }
0x3d: {  	_ =	shalt  }
0x3e: {  	_ =	shalt  }
0x3f: {  	_ =	shalt  }
0x40: {  	_ =	shalt  }
0x41: {  	_ =	shalt  }
0x42: {  	_ =	shalt  }
0x43: {  	_ =	shalt  }
0x44: {  	_ =	shalt  }
0x45: {  	_ =	shalt  }
0x46: {  	_ =	shalt  }
0x47: {  	_ =	shalt  }
0x48: {  	_ =	shalt  }
0x49: {  	_ =	shalt  }
0x4a: {  	_ =	shalt  }
0x4b: {  	_ =	shalt  }
0x4c: {  	_ =	shalt  }
0x4d: {  	_ =	shalt  }
0x4e: {  	_ =	shalt  }
0x4f: {  	_ =	shalt  }
0x50: {  	_ =	shalt  }
0x51: {  	_ =	shalt  }
0x52: {  	_ =	shalt  }
0x53: {  	_ =	shalt  }
0x54: {  	_ =	shalt  }
0x55: {  	_ =	shalt  }
0x56: {  	_ =	shalt  }
0x57: {  	_ =	shalt  }
0x58: {  	_ =	shalt  }
0x59: {  	_ =	shalt  }
0x5a: {  	_ =	shalt  }
0x5b: {  	_ =	shalt  }
0x5c: {  	_ =	shalt  }
0x5d: {  	_ =	shalt  }
0x5e: {  	_ =	shalt  }
0x5f: {  	_ =	shalt  }
0x60: {  	_ =	shalt  }
0x61: {  	_ =	shalt  }
0x62: {  	_ =	shalt  }
0x63: {  	_ =	shalt  }
0x64: {  	_ =	shalt  }
0x65: {  	_ =	shalt  }
0x66: {  	_ =	shalt  }
0x67: {  	_ =	shalt  }
0x68: {  	_ =	shalt  }
0x69: {  	_ =	shalt  }
0x6a: {  	_ =	shalt  }
0x6b: {  	_ =	shalt  }
0x6c: {  	_ =	shalt  }
0x6d: {  	_ =	shalt  }
0x6e: {  	_ =	shalt  }
0x6f: {  	_ =	shalt  }
0x70: {  	_ =	shalt  }
0x71: {  	_ =	shalt  }
0x72: {  	_ =	shalt  }
0x73: {  	_ =	shalt  }
0x74: {  	_ =	shalt  }
0x75: {  	_ =	shalt  }
0x76: {  	_ =	shalt  }
0x77: {  	_ =	shalt  }
0x78: {  	_ =	shalt  }
0x79: {  	_ =	shalt  }
0x7a: {  	_ =	shalt  }
0x7b: {  	_ =	shalt  }
0x7c: {  	_ =	shalt  }
0x7d: {  	_ =	shalt  }
0x7e: {  	_ =	shalt  }
0x7f: {  	_ =	shalt  }
0x80: {  	_ =	shalt  }
0x81: {  	_ =	shalt  }
0x82: {  	_ =	shalt  }
0x83: {  	_ =	shalt  }
0x84: {  	_ =	shalt  }
0x85: {  	_ =	shalt  }
0x86: {  	_ =	shalt  }
0x87: {  	_ =	shalt  }
.Lfunc_end0:
.L_simem_size_0:
called_computation_lowered:
.L_overlay_start_0:
0x88: {  	s2 =	sld [smem:$0x3FD9]  }
0x89: {  	s3 =	sld [smem:$0x3FFE];
	_ =	sdelay $0x1  }
0x8a: {  	s1 =	srdreg.scid  }
0x8b: {  	s0 =	sand.u32 $0x1, s1  }
0x8c: {  	s18 =	sshll.u32 s0, $0xA;
	s2 =	sadd.s32 s3, s2  }
0x8d: {  	s2 =	sadd.s32 s2, s18  }
0x8e: {  	[smem:$0x3FC6] =	sst s2  }
0x8f: {  	_ = 	snop  }
0x90: {  	s2 =	sld [smem:$0x3FC9]  }
0x91: {  	s19 =	sld [smem:$0x3FC8]  }
0x92: {  	s4 =	sld [smem:$0x3FD0];
	(tm) =	ssettm $0x1  }
0x93: {  	s5 =	sld [smem:$0x3FFB];
	_ =	sdelay $0x3  }
0x94: {  	_ =	strace s5  }
0x95: {  	s5 =	sld [smem:$0x3FFC];
	_ =	sdelay $0x3  }
0x96: {  	_ =	strace s5  }
0x97: {  	s5 =	sld [smem:$0x3FFD];
	_ =	sdelay $0x3  }
0x98: {  	_ =	strace s5  }
0x99: {  	_ =	strace $0x8FFFFFFF  }
0x9a: {  	s20 =	sld [smem:$0x3FDB];
	_ =	sdelay $0x1  }
0x9b: {  	s6 =	simm.s32 $_scs_section_size  }
0x9c: {  	s7 =	simm.s32 $_size__tile_overlayer_lowered;
	s8 =	simm.s32 $_tile_overlayer_lowered  }
0x9d: {  	s23 =	simm.s32 $0x1BFF;
	s22 =	sshll.u32 s8, $0x1;
	s5 =	sadd.s32 s6, s20  }
0x9e: {  	s9 =	simm.s32 $0x0;
	s21 =	sshll.u32 s7, $0x1;
	s7 =	sadd.s32 s22, s5  }
0x9f: {  	[timem:s9], [sflag:s23] =	dma.local [hbm:s7], s21  }
0xa0: {  	_ =	swait.ge [sflag:s23], s21  }
0xa1: {  	s6 =	ssub.s32 $0x0, s21;
	[sflag:s23] =	ssyncset.done $0x0  }
0xa2: {  	[sflag:s23] =	ssyncadd.s32 s6;
	_ =	sdelay $0x1  }
0xa3: {  	s24 =	simm.s32 $0x1B8B  }
0xa4: {  	_ =	swait.ge [sflag:s24], $0x1  }
0xa5: {  	[sflag:s24] =	ssyncset.done $0x0  }
0xa6: {  	s25 =	simm.s32 $0x1B8E;
	[sflag:s24] =	ssyncadd.s32 $0xFFFFFFFF  }
0xa7: {  	s26 =	simm.s32 $execute0_lowered;
	[smem:$0x3FD2] =	sst s25  }
0xa8: {  	s6 =	sshll.u32 s26, $0x1;
	_ =	strace $0x80000046;
	[dreg:$0x1] =	wrdreg $0xFFFFFFFF  }
0xa9: {  	s28 =	simm.s32 $_size_execute0_lowered;
	s5 =	sadd.s32 s5, s6;
	[dreg:$0x0] =	wrdreg $0x0  }
0xaa: {  	s6 =	sshll.u32 s28, $0x1;
	[dreg:$0x2] =	wrdreg s5  }
0xab: {  	[dreg:$0x3] =	wrdreg s6  }
0xac: {  	[dreg:$0x4] =	wrdreg $0xC0  }
0xad: {  	_ =	task [dreg:s9], $0x5FFFF  }
0xae: {  	[dreg:$0x1] =	wrdreg $0xFFFFFFFF  }
0xaf: {  	[dreg:$0x0] =	wrdreg $0x60  }
0xb0: {  	[dreg:$0x2] =	wrdreg s19  }
0xb1: {  	[dreg:$0x3] =	wrdreg s2  }
0xb2: {  	[dreg:$0x4] =	wrdreg s4  }
0xb3: {  	[dreg:$0x5] =	wrdreg $0x134000  }
0xb4: {  	[dreg:$0x6] =	wrdreg $0x9  }
0xb5: {  	_ =	task.clear_ibuf [dreg:s9], $0x7FFFF;
	_ =	strace $0x90000046  }
0xb6: {  	s29 =	simm.s32 $0x9;
	_ =	strace $0x80000048  }
0xb7: {  	_ =	swait.ge [sflag:s29], $0x1  }
0xb8: {  	[sflag:s29] =	ssyncadd.s32 $0xFFFFFFFF  }
0xb9: {  	_ =	strace $0x90000048  }
0xba: {  	_ =	sfence  }
0xbb: {  	s30 =	sld [smem:$0x0];
	_ =	sdelay $0x2  }
0xbc: {  	s31 =	sshll.u32 s1, $0xD;
	s1 =	sshrl.u32 s1, $0x2  }
0xbd: {  	s3 =	sand.u32 $0x4000, s31;
	s1 =	sadd.s32 s1, s30  }
0xbe: {  	s0 =	sor.u32 s3, s0;
	s1 =	sshll.u32 s1, $0x11  }
0xbf: {  	s0 =	sor.u32 s1, s0  }
0xc0: {  	s0 =	sadd.s32 $0x8F2B, s0  }
0xc1: {  	[sflag:s0] =	ssyncadd.remote.s32 $0x1  }
0xc2: {  	_ =	sfence.sel $0xFFFF  }
0xc3: {  	[dreg:$0x0] =	wrdreg $0xFFFFFFFF;
	(pc) =	sbr.abs _section_cstart, $3  }
0xc4: {  	[dreg:$0x1] =	wrdreg $0xFFFFFFFF  }
0xc5: {  	_ =	task.clear_ibuf [dreg:s9], $0x2FFFF;
	_ =	strace $0x9FFFFFFF  }
0xc6: {  	(tm) =	ssettm $0x7FFFFFFF  }
0xc7: {  	_ =	shalt  }
tec
execute0_lowered:
.L_overlay_start_1:
0x0: {  	(tag) =	ssettag $0x1  }
0x1: {  	s0 =	rddreg [dreg:$0x1]  }
0x2: {  	s1 =	rddreg [dreg:$0x2]  }
0x3: {  	s3 =	srdreg.scid;
	s2 =	rddreg [dreg:$0x3]  }
0x4: {  	s9 =	stileid.u32;
	s16 =	simm.s32 $0x9;
	s17 =	simm.s32 $0x80  }
0x5: {  	s18 =	simm.s32 $0x3400;
	s19 =	simm.s32 $0x7400;
	s21 =	simm.s32 $0xB400  }
0x6: {  	s22 =	simm.s32 $0x180;
	s23 =	simm.s32 $0xF400;
	s28 =	simm.s32 $0x4  }
0x7: {  	s29 =	simm.s32 $0x5;
	s30 =	simm.s32 $0x6;
	s31 =	simm.s32 $0x7  }
0x8: {  	s10 =	sand.u32 $0x1, s3;
	s4 =	sshll.u32 s9, $0x8;
	s3 =	simm.s32 $0x0  }
0x9: {  	s25 =	sshll.u32 s9, $0xC;
	p0 =	sne.s32 s9, $0x0;
	s5 =	sshll.u32 s10, $0x7  }
0xa: {  	s6 =	ssub.s32 $0x2, s10;
	[smem:$0x7FF] =	sst s3;
	s26 =	sshll.u32 s10, $0xB  }
0xb: {  	s4 =	sor.u32 s5, s4;
	s24 =	sshrl.u32 s6, $0x1;
	_ =	strace $0x80000047  }
0xc: {  	s7 =	sshll.u32 s4, $0x4;
	s11 =	ssub.s32 s6, s24;
	s4 =	sadd.s32 s0, s4  }
0xd: {  	s0 =	sadd.s32 s25, s1;
	s24 =	simm.s32 $0x1;
	s25 =	simm.s32 $0x2  }
0xe: {  	s8 =	sadd.s32 s7, s1;
	s9 =	smax.u32 s11, $0x1;
	s10 =	sadd.s32 s26, s0  }
0xf: {  	s11 =	sshrl.u32 @!p0 s2, $0x3;
	s14 =	sadd.s32 $0xC000, s4;
	s26 =	simm.s32 $0x3  }
0x10: {  	s1 =	simm.s32 $0x8;
	s0 =	simm.s32 $0x0;
	s5 =	sadd.s32 $0x600000, s8  }
0x11: {  	s6 =	sadd.s32 $0x610000, s8;
	s7 =	sadd.s32 $0x620000, s8;
	s8 =	sadd.s32 $0x630000, s8  }
.LBB2_1:
0x12: {  	s12 =	simm.s32 @!p0 $0x1C09;
	s13 =	rddreg [dreg:$0x0]  }
0x13: {  	[spmem:s11], [sflag:s12] =	dma.local @!p0 [hbm:s13], $0x3E80  }
0x14: {  	s12 =	simm.s32 @!p0 $0x9  }
0x15: {  	_ =	swait.ge @!p0 [sflag:s12], $0x3E80  }
0x16: {  	[sflag:s12] =	ssyncset.done @!p0 $0x0  }
0x17: {  	s15 =	simm.s32 $0x400;
	s20 =	simm.s32 $0x8000;
	[sflag:s12] =	ssyncadd.s32 @!p0 $0xFFFFC180  }
0x18: {  	[tilespmem:s3], [sflag:$0x9] =	stream.strided.gather [hbm4b:s4+s15], $0x3000, s20, s15, $0x38;
	[tilespmem:$0x15340] =	vst v63  }
0x19: {  	s15 =	simm.s32 $0x3000  }
0x1a: {  	[tilespmem:s15], [sflag:$0x9] =	stream.linear.gather [hbm4b:s14+s3], $0x200, $0x38;
	[tilespmem:$0x15340] =	vst v63  }
0x1b: {  	_ =	swait.ge [sflag:s16], $0x3200  }
0x1c: {  	[sflag:s16] =	ssyncset.done $0x0  }
0x1d: {  	[sflag:s16] =	ssyncadd.s32 $0xFFFFCE00  }
0x1e: {  	[bflag:$0x0] =	sbarrier.arrive $0xFFFF  }
0x1f: {  	[tilespmem:s18], [sflag:$0x1] =	stream.indirect.gather [spmem:s2], $0x80, s3, s17, $0xb8;
	[tilespmem:$0x15340] =	vst v63  }
0x20: {  	_ = 	snop  }
0x21: {  	[tilespmem:s19], [sflag:$0x2] =	stream.indirect.gather [spmem:s2], $0x80, s17, s17, $0xb8;
	[tilespmem:$0x15340] =	vst v63  }
0x22: {  	s20 =	simm.s32 $0x100  }
0x23: {  	[tilespmem:s21], [sflag:$0x3] =	stream.indirect.gather [spmem:s2], $0x80, s20, s17, $0xb8;
	[tilespmem:$0x15340] =	vst v63  }
0x24: {  	_ = 	snop  }
0x25: {  	[tilespmem:s23], [sflag:$0x4] =	stream.indirect.gather [spmem:s2], $0x80, s22, s17, $0xb8;
	[tilespmem:$0x15340] =	vst v63  }
0x26: {  	_ =	swait.ge [sflag:s24], $0x4000  }
0x27: {  	[sflag:s24] =	ssyncset.done $0x0  }
0x28: {  	[sflag:s24] =	ssyncadd.s32 $0xFFFFC000  }
0x29: {  	[hbm4b:s10+s3] =	stream.linear.scatter [tilespmem:s18], [sflag:$0x5], $0x4000, $0x38;
	[tilespmem:$0x15340] =	vst v63  }
0x2a: {  	_ =	swait.ge [sflag:s25], $0x4000  }
0x2b: {  	[sflag:s25] =	ssyncset.done $0x0  }
0x2c: {  	s13 =	sadd.s32 $0x10000, s10;
	[sflag:s25] =	ssyncadd.s32 $0xFFFFC000  }
0x2d: {  	[hbm4b:s13+s3] =	stream.linear.scatter [tilespmem:s19], [sflag:$0x6], $0x4000, $0x38;
	[tilespmem:$0x15340] =	vst v63  }
0x2e: {  	_ =	swait.ge [sflag:s26], $0x4000  }
0x2f: {  	[sflag:s26] =	ssyncset.done $0x0  }
0x30: {  	s15 =	sadd.s32 $0x20000, s10;
	[sflag:s26] =	ssyncadd.s32 $0xFFFFC000  }
0x31: {  	[hbm4b:s15+s3] =	stream.linear.scatter [tilespmem:s21], [sflag:$0x7], $0x4000, $0x38;
	[tilespmem:$0x15340] =	vst v63  }
0x32: {  	_ =	swait.ge [sflag:s28], $0x4000  }
0x33: {  	[sflag:s28] =	ssyncset.done $0x0  }
0x34: {  	s20 =	sadd.s32 $0x30000, s10;
	[sflag:s28] =	ssyncadd.s32 $0xFFFFC000  }
0x35: {  	[hbm4b:s20+s3] =	stream.linear.scatter [tilespmem:s23], [sflag:$0x8], $0x4000, $0x38;
	[tilespmem:$0x15340] =	vst v63  }
0x36: {  	_ =	swait.ge [sflag:s29], $0x4000  }
0x37: {  	[sflag:s29] =	ssyncset.done $0x0  }
0x38: {  	s13 =	simm.s32 $0x200;
	[sflag:s29] =	ssyncadd.s32 $0xFFFFC000  }
0x39: {  	[tilespmem:s18], [sflag:$0x1] =	stream.indirect.gather [spmem:s2], $0x80, s13, s17, $0xb8;
	[tilespmem:$0x15340] =	vst v63  }
0x3a: {  	_ =	swait.ge [sflag:s30], $0x4000  }
0x3b: {  	[sflag:s30] =	ssyncset.done $0x0  }
0x3c: {  	s15 =	simm.s32 $0x280;
	[sflag:s30] =	ssyncadd.s32 $0xFFFFC000  }
0x3d: {  	[tilespmem:s19], [sflag:$0x2] =	stream.indirect.gather [spmem:s2], $0x80, s15, s17, $0xb8;
	[tilespmem:$0x15340] =	vst v63  }
0x3e: {  	_ =	swait.ge [sflag:s31], $0x4000  }
0x3f: {  	[sflag:s31] =	ssyncset.done $0x0  }
0x40: {  	s20 =	simm.s32 $0x300;
	[sflag:s31] =	ssyncadd.s32 $0xFFFFC000  }
0x41: {  	[tilespmem:s21], [sflag:$0x3] =	stream.indirect.gather [spmem:s2], $0x80, s20, s17, $0xb8;
	[tilespmem:$0x15340] =	vst v63  }
0x42: {  	_ =	swait.ge [sflag:s1], $0x4000  }
0x43: {  	s12 =	simm.s32 $0x800;
	[sflag:s1] =	ssyncset.done $0x0  }
0x44: {  	s13 =	sadd.s32 $0x40000, s10;
	s15 =	simm.s32 $0x380;
	[sflag:s1] =	ssyncadd.s32 $0xFFFFC000  }
.LBB2_2:
0x45: {  	[tilespmem:s23], [sflag:$0x4] =	stream.indirect.gather [spmem:s2], $0x80, s15, s17, $0xb8;
	[tilespmem:$0x15340] =	vst v63  }
0x46: {  	s15 =	smov.u32 s12  }
0x47: {  	p1 =	sne.s32 s12, $0xB800;
	s12 =	sadd.s32 $0x800, s12;
	_ =	swait.ge [sflag:s24], $0x4000  }
0x48: {  	[sflag:s24] =	ssyncset.done $0x0  }
0x49: {  	[sflag:s24] =	ssyncadd.s32 $0xFFFFC000  }
0x4a: {  	[hbm4b:s13+s3] =	stream.linear.scatter [tilespmem:s18], [sflag:$0x5], $0x4000, $0x38;
	[tilespmem:$0x15340] =	vst v63  }
0x4b: {  	_ =	swait.ge [sflag:s25], $0x4000  }
0x4c: {  	[sflag:s25] =	ssyncset.done $0x0  }
0x4d: {  	s20 =	sadd.s32 $0x10000, s13;
	[sflag:s25] =	ssyncadd.s32 $0xFFFFC000  }
0x4e: {  	[hbm4b:s20+s3] =	stream.linear.scatter [tilespmem:s19], [sflag:$0x6], $0x4000, $0x38;
	[tilespmem:$0x15340] =	vst v63  }
0x4f: {  	_ =	swait.ge [sflag:s26], $0x4000  }
0x50: {  	[sflag:s26] =	ssyncset.done $0x0  }
0x51: {  	s20 =	sadd.s32 $0x20000, s13;
	[sflag:s26] =	ssyncadd.s32 $0xFFFFC000  }
0x52: {  	[hbm4b:s20+s3] =	stream.linear.scatter [tilespmem:s21], [sflag:$0x7], $0x4000, $0x38;
	[tilespmem:$0x15340] =	vst v63  }
0x53: {  	_ =	swait.ge [sflag:s28], $0x4000  }
0x54: {  	[sflag:s28] =	ssyncset.done $0x0  }
0x55: {  	s20 =	sadd.s32 $0x30000, s13;
	[sflag:s28] =	ssyncadd.s32 $0xFFFFC000  }
0x56: {  	[hbm4b:s20+s3] =	stream.linear.scatter [tilespmem:s23], [sflag:$0x8], $0x4000, $0x38;
	[tilespmem:$0x15340] =	vst v63  }
0x57: {  	_ =	swait.ge [sflag:s29], $0x4000  }
0x58: {  	s15 =	sshra.s32 s15, $0x2;
	[sflag:s29] =	ssyncset.done $0x0  }
0x59: {  	s20 =	sadd.s32 $0x200, s15;
	[sflag:s29] =	ssyncadd.s32 $0xFFFFC000  }
0x5a: {  	[tilespmem:s18], [sflag:$0x1] =	stream.indirect.gather [spmem:s2], $0x80, s20, s17, $0xb8;
	[tilespmem:$0x15340] =	vst v63  }
0x5b: {  	_ =	swait.ge [sflag:s30], $0x4000  }
0x5c: {  	[sflag:s30] =	ssyncset.done $0x0  }
0x5d: {  	s20 =	sadd.s32 $0x280, s15;
	[sflag:s30] =	ssyncadd.s32 $0xFFFFC000  }
0x5e: {  	[tilespmem:s19], [sflag:$0x2] =	stream.indirect.gather [spmem:s2], $0x80, s20, s17, $0xb8;
	[tilespmem:$0x15340] =	vst v63  }
0x5f: {  	_ =	swait.ge [sflag:s31], $0x4000  }
0x60: {  	[sflag:s31] =	ssyncset.done $0x0  }
.Ltmp0:
0x61: {  	s20 =	sadd.s32 $0x300, s15;
	[sflag:s31] =	ssyncadd.s32 $0xFFFFC000;
	(pc) =	sbr.rel @p1 .LBB2_2-.Ltmp0, $4  }
0x62: {  	[tilespmem:s21], [sflag:$0x3] =	stream.indirect.gather [spmem:s2], $0x80, s20, s17, $0xb8;
	[tilespmem:$0x15340] =	vst v63  }
0x63: {  	_ =	swait.ge [sflag:s1], $0x4000  }
0x64: {  	[sflag:s1] =	ssyncset.done $0x0  }
0x65: {  	s13 =	sadd.s32 $0x40000, s13;
	s15 =	sadd.s32 $0x380, s15;
	[sflag:s1] =	ssyncadd.s32 $0xFFFFC000  }
0x66: {  	[tilespmem:s23], [sflag:$0x4] =	stream.indirect.gather [spmem:s2], $0x80, s15, s17, $0xb8;
	[tilespmem:$0x15340] =	vst v63  }
0x67: {  	_ =	swait.ge [sflag:s24], $0x4000  }
0x68: {  	[sflag:s24] =	ssyncset.done $0x0  }
0x69: {  	[sflag:s24] =	ssyncadd.s32 $0xFFFFC000  }
0x6a: {  	[hbm4b:s5+s3] =	stream.linear.scatter [tilespmem:s18], [sflag:$0x9], $0x4000, $0x38;
	[tilespmem:$0x15340] =	vst v63  }
0x6b: {  	_ =	swait.ge [sflag:s16], $0x4000  }
0x6c: {  	[sflag:s16] =	ssyncset.done $0x0  }
0x6d: {  	[sflag:s16] =	ssyncadd.s32 $0xFFFFC000  }
0x6e: {  	_ =	swait.ge [sflag:s25], $0x4000  }
0x6f: {  	[sflag:s25] =	ssyncset.done $0x0  }
0x70: {  	[sflag:s25] =	ssyncadd.s32 $0xFFFFC000  }
0x71: {  	[hbm4b:s6+s3] =	stream.linear.scatter [tilespmem:s19], [sflag:$0x9], $0x4000, $0x38;
	[tilespmem:$0x15340] =	vst v63  }
0x72: {  	_ =	swait.ge [sflag:s16], $0x4000  }
0x73: {  	[sflag:s16] =	ssyncset.done $0x0  }
0x74: {  	[sflag:s16] =	ssyncadd.s32 $0xFFFFC000  }
0x75: {  	_ =	swait.ge [sflag:s26], $0x4000  }
0x76: {  	[sflag:s26] =	ssyncset.done $0x0  }
0x77: {  	[sflag:s26] =	ssyncadd.s32 $0xFFFFC000  }
0x78: {  	[hbm4b:s7+s3] =	stream.linear.scatter [tilespmem:s21], [sflag:$0x9], $0x4000, $0x38;
	[tilespmem:$0x15340] =	vst v63  }
0x79: {  	_ =	swait.ge [sflag:s16], $0x4000  }
0x7a: {  	[sflag:s16] =	ssyncset.done $0x0  }
0x7b: {  	[sflag:s16] =	ssyncadd.s32 $0xFFFFC000  }
0x7c: {  	s0 =	sadd.s32 $0x1, s0;
	_ =	swait.ge [sflag:s28], $0x4000  }
0x7d: {  	p1 =	sne.s32 s0, s9;
	[sflag:s28] =	ssyncset.done $0x0  }
.Ltmp1:
0x7e: {  	[sflag:s28] =	ssyncadd.s32 $0xFFFFC000;
	(pc) =	sbr.rel @p1 .LBB2_1-.Ltmp1, $4  }
0x7f: {  	[hbm4b:s8+s3] =	stream.linear.scatter [tilespmem:s23], [sflag:$0x9], $0x4000, $0x38;
	[tilespmem:$0x15340] =	vst v63  }
0x80: {  	_ =	swait.ge [sflag:s16], $0x4000  }
0x81: {  	[sflag:s16] =	ssyncset.done $0x0  }
0x82: {  	[sflag:s16] =	ssyncadd.s32 $0xFFFFC000  }
0x83: {  	_ =	sfence.sel $0x180000  }
0x84: {  	[bflag:$0x0] =	sbarrier.arrive $0xFFFF  }
0x85: {  	_ =	strace $0x90000047  }
0x86: {  	[bflag:$0x2] =	sbarrier.arrive $0xFFFF  }
0x87: {  	s0 =	rddreg [dreg:$0x4]  }
0x88: {  	s0 =	sadd.s32 @!p0 $0x100000, s0  }
0x89: {  	[sflag:s0] =	ssyncadd.tile.s32 @!p0 $0x1;
	_ =	shalt  }
.Lfunc_end2:
_tile_overlayer_lowered:
.L_overlay_start_2:
0x8a: {  	(tag) =	ssettag $0x2  }
0x8b: {  	s0 =	rddreg [dreg:$0x0];
	s2 =	stileid.u32  }
0x8c: {  	s1 =	rddreg [dreg:$0x1];
	p0 =	sne.s32 s2, $0x0  }
0x8d: {  	s3 =	rddreg [dreg:$0x2];
	[bflag:$0x3] =	sbarrier.arrive $0xFFFF;
	s2 =	simm.s32 @!p0 $0x1C09  }
0x8e: {  	[timem:s3], [sflag:s2] =	dma.local @!p0 [hbm:s0], s1  }
0x8f: {  	s0 =	simm.s32 @!p0 $0x9  }
0x90: {  	_ =	swait.ge @!p0 [sflag:s0], s1  }
0x91: {  	s1 =	ssub.s32 @!p0 $0x0, s1;
	[sflag:s0] =	ssyncset.done @!p0 $0x0  }
0x92: {  	[sflag:s0] =	ssyncadd.s32 @!p0 s1  }
0x93: {  	[bflag:$0x3] =	sbarrier.arrive $0xFFFF  }
0x94: {  	_ =	shalt  }

</sc_bundles>
